<compile_context>
chip_gen: v7x
topology: tpu7x:2x2x1
jax: 0.10.2.dev20260603
libtpu: 0.0.44.dev20260713+nightly
codegen_flags: <defaults>
</compile_context>

<pallas_src>
import functools

import jax
import jax.numpy as jnp
from jax import lax
from jax.experimental import pallas as pl
from jax.experimental.pallas import tpu as pltpu
from jax.experimental.pallas import tpu_sc as plsc

N_FACTORS = 32
BATCH = 16384

NC = 2
NS = 16
L = 16
NW = NC * NS
BPW = BATCH // NW
ICH = 128
NCH = BPW // ICH
NBLK = BPW // L

_mesh = plsc.VectorSubcoreMesh(
    core_axis_name="c", subcore_axis_name="s", num_cores=NC, num_subcores=NS
)


@functools.partial(
    pl.kernel,
    out_type=jax.ShapeDtypeStruct((BATCH,), jnp.float32),
    mesh=_mesh,
    compiler_params=pltpu.CompilerParams(use_tc_tiling_on_sc=False),
    scratch_types=[
        pltpu.VMEM((NCH, ICH), jnp.int32),
        pltpu.VMEM((NCH, ICH), jnp.int32),
        pltpu.VMEM((BPW, N_FACTORS), jnp.float32),
        pltpu.VMEM((BPW, N_FACTORS), jnp.float32),
        pltpu.VMEM((BPW,), jnp.float32),
        pltpu.VMEM((BPW,), jnp.float32),
        pltpu.VMEM((BPW,), jnp.float32),
        pltpu.SemaphoreType.DMA,
    ],
)
def _mf_sc_kernel(user_hbm, item_hbm, uf_hbm, itf_hbm, ub_hbm, ib_hbm,
                  out_hbm, uidx_v, iidx_v, uf_v, itf_v, ub_v, ib_v,
                  out_v, sem):
    wid = lax.axis_index("s") * NC + lax.axis_index("c")
    base = wid * BPW

    for j in range(NCH):
        pltpu.sync_copy(user_hbm.at[pl.ds(base + j * ICH, ICH)], uidx_v.at[j])
        pltpu.sync_copy(item_hbm.at[pl.ds(base + j * ICH, ICH)], iidx_v.at[j])

    copies = []
    for j in range(NCH):
        sl = pl.ds(j * ICH, ICH)
        copies.append(pltpu.async_copy(uf_hbm.at[uidx_v.at[j]], uf_v.at[sl], sem))
        copies.append(pltpu.async_copy(itf_hbm.at[iidx_v.at[j]], itf_v.at[sl], sem))
        copies.append(pltpu.async_copy(ub_hbm.at[uidx_v.at[j]], ub_v.at[sl], sem))
        copies.append(pltpu.async_copy(ib_hbm.at[iidx_v.at[j]], ib_v.at[sl], sem))
    for cp in copies:
        cp.wait()

    lanes = lax.broadcasted_iota(jnp.int32, (L,), 0)

    def block(i, carry):
        b0 = i * L
        partials = []
        for e in range(L):
            u_lo = uf_v[b0 + e, pl.ds(0, L)]
            u_hi = uf_v[b0 + e, pl.ds(L, L)]
            v_lo = itf_v[b0 + e, pl.ds(0, L)]
            v_hi = itf_v[b0 + e, pl.ds(L, L)]
            partials.append(u_lo * v_lo + u_hi * v_hi)
        for s in (1, 2, 4, 8):
            cond = (lanes & s) == 0
            nxt = []
            for j in range(0, len(partials), 2):
                a, c = partials[j], partials[j + 1]
                q = jnp.where(cond, a, c)
                t = jnp.where(cond, c, a)
                nxt.append(q + jnp.take(t, lanes ^ s))
            partials = nxt
        out_v[pl.ds(b0, L)] = (partials[0] + ub_v[pl.ds(b0, L)]
                               + ib_v[pl.ds(b0, L)])
        return carry

    lax.fori_loop(0, NBLK, block, 0)

    pltpu.sync_copy(out_v, out_hbm.at[pl.ds(base, BPW)])


def kernel(user, item, user_factors, item_factors, user_biases, item_biases):
    user = user.astype(jnp.int32)
    item = item.astype(jnp.int32)
    return _mf_sc_kernel(user, item, user_factors, item_factors,
                         user_biases.reshape(-1), item_biases.reshape(-1))

# --- scband reference (transcript-rebuilt; emitter-appended) ---
"""Pipeline reference for scband-biased-matrix-factorization-22686017258265 (READ-ONLY COPY).

The authoritative reference and input builder live on the scoring server;
editing this copy changes nothing except your own understanding.
"""

import jax, jax.numpy as jnp
import numpy as np

N_USERS = 1000000
N_ITEMS = 1000000
N_FACTORS = 32
BATCH = 16384


def setup_inputs(seed: int = 0) -> dict:
    key = jax.random.key(seed)
    k1, k2, k3, k4, k5, k6 = jax.random.split(key, 6)
    user = jax.random.randint(k1, (BATCH,), 0, N_USERS, dtype=jnp.int64) if jax.config.jax_enable_x64 else jax.random.randint(k1, (BATCH,), 0, N_USERS, dtype=jnp.int32)
    item = jax.random.randint(k2, (BATCH,), 0, N_ITEMS, dtype=jnp.int32)
    user_factors = jax.random.normal(k3, (N_USERS, N_FACTORS), dtype=jnp.float32)
    item_factors = jax.random.normal(k4, (N_ITEMS, N_FACTORS), dtype=jnp.float32)
    user_biases = jax.random.normal(k5, (N_USERS, 1), dtype=jnp.float32)
    item_biases = jax.random.normal(k6, (N_ITEMS, 1), dtype=jnp.float32)
    return {
        "user": user,
        "item": item,
        "user_factors": user_factors,
        "item_factors": item_factors,
        "user_biases": user_biases,
        "item_biases": item_biases,
    }


def reference(user, item, user_factors, item_factors, user_biases, item_biases):
    # pred = user_biases(user) + item_biases(item)
    pred = jnp.take(user_biases, user, axis=0) + jnp.take(item_biases, item, axis=0)
    # pred += (user_factors(user) * item_factors(item)).sum(dim=1, keepdim=True)
    uf = jnp.take(user_factors, user, axis=0)
    itf = jnp.take(item_factors, item, axis=0)
    pred = pred + jnp.sum(uf * itf, axis=1, keepdims=True)
    return jnp.squeeze(pred)

if __name__ == "__main__":
    import jax
    _d = setup_inputs()
    print(jax.jit(kernel)(*tuple(_d.values())))

</pallas_src>

<mosaic_0001>
#map = affine_map<(d0, d1) -> (0)>
#map1 = affine_map<(d0, d1) -> (0, 0)>
module attributes {stable_mosaic.version = 14 : i64} {
  func.func @_mf_sc_kernel(%arg0: i32, %arg1: i32, %arg2: memref<16384xi32, #tpu.memory_space<hbm>>, %arg3: memref<16384xi32, #tpu.memory_space<hbm>>, %arg4: memref<1000000x32xf32, #tpu.memory_space<hbm>>, %arg5: memref<1000000x32xf32, #tpu.memory_space<hbm>>, %arg6: memref<1000000xf32, #tpu.memory_space<hbm>>, %arg7: memref<1000000xf32, #tpu.memory_space<hbm>>, %arg8: memref<16384xf32, #tpu.memory_space<hbm>>, %arg9: memref<4x128xi32, #tpu.memory_space<vmem>>, %arg10: memref<4x128xi32, #tpu.memory_space<vmem>>, %arg11: memref<512x32xf32, #tpu.memory_space<vmem>>, %arg12: memref<512x32xf32, #tpu.memory_space<vmem>>, %arg13: memref<512xf32, #tpu.memory_space<vmem>>, %arg14: memref<512xf32, #tpu.memory_space<vmem>>, %arg15: memref<512xf32, #tpu.memory_space<vmem>>, %arg16: memref<!tpu.dma_semaphore, #tpu.memory_space<semaphore_mem>>) attributes {dimension_semantics = [#tpu.dimension_semantics<core_parallel>, #tpu.dimension_semantics<subcore_parallel>], iteration_bounds = array<i64: 2, 16>, scalar_prefetch = 0 : i64, scratch_operands = 8 : i64, tpu.core_type = #tpu.core_type<sc_vector_subcore>, window_params = [{transform_indices = #map}, {transform_indices = #map}, {transform_indices = #map1}, {transform_indices = #map1}, {transform_indices = #map}, {transform_indices = #map}, {transform_indices = #map}]} {
    %mul3A = arith.constant 2 : i32
    %mul3A_0 = arith.muli %arg1, %mul3A : i32
    %add3A = arith.addi %mul3A_0, %arg0 : i32
    %mul3A_1 = arith.constant 512 : i32
    %mul3A_2 = arith.muli %add3A, %mul3A_1 : i32
    %add3A_3 = arith.constant 0 : i32
    %add3A_4 = arith.addi %mul3A_2, %add3A_3 : i32
    %run_scoped3A = arith.constant 0 : i32
    "tpu.region"() ({
      %run_scoped3A_317 = tpu.sem_alloc : memref<!tpu.dma_semaphore, #tpu.memory_space<semaphore_mem>>
      %dma_start3A_318 = arith.constant 0 : i32
      %dma_start3A_319 = tpu.memref_slice %arg9[%run_scoped3A, %dma_start3A_318] : memref<4x128xi32, #tpu.memory_space<vmem>> -> memref<1x128xi32, #tpu.memory_space<vmem>>
      %dma_start3A_320 = tpu.memref_squeeze %dma_start3A_319 : memref<1x128xi32, #tpu.memory_space<vmem>> -> memref<128xi32, #tpu.memory_space<vmem>>
      %dma_start3A_321 = tpu.memref_slice %arg2[%add3A_4] : memref<16384xi32, #tpu.memory_space<hbm>> -> memref<128xi32, #tpu.memory_space<hbm>>
      %dma_start3A_322 = arith.constant 0 : i32
      %dma_start3A_323 = tpu.memref_slice %arg9[%run_scoped3A, %dma_start3A_322] : memref<4x128xi32, #tpu.memory_space<vmem>> -> memref<1x128xi32, #tpu.memory_space<vmem>>
      %dma_start3A_324 = tpu.memref_squeeze %dma_start3A_323 : memref<1x128xi32, #tpu.memory_space<vmem>> -> memref<128xi32, #tpu.memory_space<vmem>>
      %dma_start3A_325 = tpu.memref_slice %arg2[%add3A_4] : memref<16384xi32, #tpu.memory_space<hbm>> -> memref<128xi32, #tpu.memory_space<hbm>>
      tpu.enqueue_dma source(%dma_start3A_325 : memref<128xi32, #tpu.memory_space<hbm>>) target(%dma_start3A_324 : memref<128xi32, #tpu.memory_space<vmem>>) target_semaphore(%run_scoped3A_317 : memref<!tpu.dma_semaphore, #tpu.memory_space<semaphore_mem>>)
      %dma_wait3A_326 = arith.constant 0 : i32
      %dma_wait3A_327 = tpu.memref_slice %arg9[%run_scoped3A, %dma_wait3A_326] : memref<4x128xi32, #tpu.memory_space<vmem>> -> memref<1x128xi32, #tpu.memory_space<vmem>>
      %dma_wait3A_328 = tpu.memref_squeeze %dma_wait3A_327 : memref<1x128xi32, #tpu.memory_space<vmem>> -> memref<128xi32, #tpu.memory_space<vmem>>
      %dma_wait3A_329 = tpu.memref_slice %arg2[%add3A_4] : memref<16384xi32, #tpu.memory_space<hbm>> -> memref<128xi32, #tpu.memory_space<hbm>>
      %dma_wait3A_330 = arith.constant 0 : i32
      %dma_wait3A_331 = tpu.memref_slice %arg9[%run_scoped3A, %dma_wait3A_330] : memref<4x128xi32, #tpu.memory_space<vmem>> -> memref<1x128xi32, #tpu.memory_space<vmem>>
      %dma_wait3A_332 = tpu.memref_squeeze %dma_wait3A_331 : memref<1x128xi32, #tpu.memory_space<vmem>> -> memref<128xi32, #tpu.memory_space<vmem>>
      %dma_wait3A_333 = tpu.memref_slice %arg2[%add3A_4] : memref<16384xi32, #tpu.memory_space<hbm>> -> memref<128xi32, #tpu.memory_space<hbm>>
      tpu.wait_dma2 semaphore(%run_scoped3A_317 : memref<!tpu.dma_semaphore, #tpu.memory_space<semaphore_mem>>) src(%dma_wait3A_333 : memref<128xi32, #tpu.memory_space<hbm>>) dst(%dma_wait3A_332 : memref<128xi32, #tpu.memory_space<vmem>>)
      tpu.yield
    }) : () -> ()
    %add3A_5 = arith.constant 0 : i32
    %add3A_6 = arith.addi %mul3A_2, %add3A_5 : i32
    %run_scoped3A_7 = arith.constant 0 : i32
    "tpu.region"() ({
      %run_scoped3A_317 = tpu.sem_alloc : memref<!tpu.dma_semaphore, #tpu.memory_space<semaphore_mem>>
      %dma_start3A_318 = arith.constant 0 : i32
      %dma_start3A_319 = tpu.memref_slice %arg10[%run_scoped3A_7, %dma_start3A_318] : memref<4x128xi32, #tpu.memory_space<vmem>> -> memref<1x128xi32, #tpu.memory_space<vmem>>
      %dma_start3A_320 = tpu.memref_squeeze %dma_start3A_319 : memref<1x128xi32, #tpu.memory_space<vmem>> -> memref<128xi32, #tpu.memory_space<vmem>>
      %dma_start3A_321 = tpu.memref_slice %arg3[%add3A_6] : memref<16384xi32, #tpu.memory_space<hbm>> -> memref<128xi32, #tpu.memory_space<hbm>>
      %dma_start3A_322 = arith.constant 0 : i32
      %dma_start3A_323 = tpu.memref_slice %arg10[%run_scoped3A_7, %dma_start3A_322] : memref<4x128xi32, #tpu.memory_space<vmem>> -> memref<1x128xi32, #tpu.memory_space<vmem>>
      %dma_start3A_324 = tpu.memref_squeeze %dma_start3A_323 : memref<1x128xi32, #tpu.memory_space<vmem>> -> memref<128xi32, #tpu.memory_space<vmem>>
      %dma_start3A_325 = tpu.memref_slice %arg3[%add3A_6] : memref<16384xi32, #tpu.memory_space<hbm>> -> memref<128xi32, #tpu.memory_space<hbm>>
      tpu.enqueue_dma source(%dma_start3A_325 : memref<128xi32, #tpu.memory_space<hbm>>) target(%dma_start3A_324 : memref<128xi32, #tpu.memory_space<vmem>>) target_semaphore(%run_scoped3A_317 : memref<!tpu.dma_semaphore, #tpu.memory_space<semaphore_mem>>)
      %dma_wait3A_326 = arith.constant 0 : i32
      %dma_wait3A_327 = tpu.memref_slice %arg10[%run_scoped3A_7, %dma_wait3A_326] : memref<4x128xi32, #tpu.memory_space<vmem>> -> memref<1x128xi32, #tpu.memory_space<vmem>>
      %dma_wait3A_328 = tpu.memref_squeeze %dma_wait3A_327 : memref<1x128xi32, #tpu.memory_space<vmem>> -> memref<128xi32, #tpu.memory_space<vmem>>
      %dma_wait3A_329 = tpu.memref_slice %arg3[%add3A_6] : memref<16384xi32, #tpu.memory_space<hbm>> -> memref<128xi32, #tpu.memory_space<hbm>>
      %dma_wait3A_330 = arith.constant 0 : i32
      %dma_wait3A_331 = tpu.memref_slice %arg10[%run_scoped3A_7, %dma_wait3A_330] : memref<4x128xi32, #tpu.memory_space<vmem>> -> memref<1x128xi32, #tpu.memory_space<vmem>>
      %dma_wait3A_332 = tpu.memref_squeeze %dma_wait3A_331 : memref<1x128xi32, #tpu.memory_space<vmem>> -> memref<128xi32, #tpu.memory_space<vmem>>
      %dma_wait3A_333 = tpu.memref_slice %arg3[%add3A_6] : memref<16384xi32, #tpu.memory_space<hbm>> -> memref<128xi32, #tpu.memory_space<hbm>>
      tpu.wait_dma2 semaphore(%run_scoped3A_317 : memref<!tpu.dma_semaphore, #tpu.memory_space<semaphore_mem>>) src(%dma_wait3A_333 : memref<128xi32, #tpu.memory_space<hbm>>) dst(%dma_wait3A_332 : memref<128xi32, #tpu.memory_space<vmem>>)
      tpu.yield
    }) : () -> ()
    %add3A_8 = arith.constant 128 : i32
    %add3A_9 = arith.addi %mul3A_2, %add3A_8 : i32
    %run_scoped3A_10 = arith.constant 1 : i32
    "tpu.region"() ({
      %run_scoped3A_317 = tpu.sem_alloc : memref<!tpu.dma_semaphore, #tpu.memory_space<semaphore_mem>>
      %dma_start3A_318 = arith.constant 0 : i32
      %dma_start3A_319 = tpu.memref_slice %arg9[%run_scoped3A_10, %dma_start3A_318] : memref<4x128xi32, #tpu.memory_space<vmem>> -> memref<1x128xi32, #tpu.memory_space<vmem>>
      %dma_start3A_320 = tpu.memref_squeeze %dma_start3A_319 : memref<1x128xi32, #tpu.memory_space<vmem>> -> memref<128xi32, #tpu.memory_space<vmem>>
      %dma_start3A_321 = tpu.memref_slice %arg2[%add3A_9] : memref<16384xi32, #tpu.memory_space<hbm>> -> memref<128xi32, #tpu.memory_space<hbm>>
      %dma_start3A_322 = arith.constant 0 : i32
      %dma_start3A_323 = tpu.memref_slice %arg9[%run_scoped3A_10, %dma_start3A_322] : memref<4x128xi32, #tpu.memory_space<vmem>> -> memref<1x128xi32, #tpu.memory_space<vmem>>
      %dma_start3A_324 = tpu.memref_squeeze %dma_start3A_323 : memref<1x128xi32, #tpu.memory_space<vmem>> -> memref<128xi32, #tpu.memory_space<vmem>>
      %dma_start3A_325 = tpu.memref_slice %arg2[%add3A_9] : memref<16384xi32, #tpu.memory_space<hbm>> -> memref<128xi32, #tpu.memory_space<hbm>>
      tpu.enqueue_dma source(%dma_start3A_325 : memref<128xi32, #tpu.memory_space<hbm>>) target(%dma_start3A_324 : memref<128xi32, #tpu.memory_space<vmem>>) target_semaphore(%run_scoped3A_317 : memref<!tpu.dma_semaphore, #tpu.memory_space<semaphore_mem>>)
      %dma_wait3A_326 = arith.constant 0 : i32
      %dma_wait3A_327 = tpu.memref_slice %arg9[%run_scoped3A_10, %dma_wait3A_326] : memref<4x128xi32, #tpu.memory_space<vmem>> -> memref<1x128xi32, #tpu.memory_space<vmem>>
      %dma_wait3A_328 = tpu.memref_squeeze %dma_wait3A_327 : memref<1x128xi32, #tpu.memory_space<vmem>> -> memref<128xi32, #tpu.memory_space<vmem>>
      %dma_wait3A_329 = tpu.memref_slice %arg2[%add3A_9] : memref<16384xi32, #tpu.memory_space<hbm>> -> memref<128xi32, #tpu.memory_space<hbm>>
      %dma_wait3A_330 = arith.constant 0 : i32
      %dma_wait3A_331 = tpu.memref_slice %arg9[%run_scoped3A_10, %dma_wait3A_330] : memref<4x128xi32, #tpu.memory_space<vmem>> -> memref<1x128xi32, #tpu.memory_space<vmem>>
      %dma_wait3A_332 = tpu.memref_squeeze %dma_wait3A_331 : memref<1x128xi32, #tpu.memory_space<vmem>> -> memref<128xi32, #tpu.memory_space<vmem>>
      %dma_wait3A_333 = tpu.memref_slice %arg2[%add3A_9] : memref<16384xi32, #tpu.memory_space<hbm>> -> memref<128xi32, #tpu.memory_space<hbm>>
      tpu.wait_dma2 semaphore(%run_scoped3A_317 : memref<!tpu.dma_semaphore, #tpu.memory_space<semaphore_mem>>) src(%dma_wait3A_333 : memref<128xi32, #tpu.memory_space<hbm>>) dst(%dma_wait3A_332 : memref<128xi32, #tpu.memory_space<vmem>>)
      tpu.yield
    }) : () -> ()
    %add3A_11 = arith.constant 128 : i32
    %add3A_12 = arith.addi %mul3A_2, %add3A_11 : i32
    %run_scoped3A_13 = arith.constant 1 : i32
    "tpu.region"() ({
      %run_scoped3A_317 = tpu.sem_alloc : memref<!tpu.dma_semaphore, #tpu.memory_space<semaphore_mem>>
      %dma_start3A_318 = arith.constant 0 : i32
      %dma_start3A_319 = tpu.memref_slice %arg10[%run_scoped3A_13, %dma_start3A_318] : memref<4x128xi32, #tpu.memory_space<vmem>> -> memref<1x128xi32, #tpu.memory_space<vmem>>
      %dma_start3A_320 = tpu.memref_squeeze %dma_start3A_319 : memref<1x128xi32, #tpu.memory_space<vmem>> -> memref<128xi32, #tpu.memory_space<vmem>>
      %dma_start3A_321 = tpu.memref_slice %arg3[%add3A_12] : memref<16384xi32, #tpu.memory_space<hbm>> -> memref<128xi32, #tpu.memory_space<hbm>>
      %dma_start3A_322 = arith.constant 0 : i32
      %dma_start3A_323 = tpu.memref_slice %arg10[%run_scoped3A_13, %dma_start3A_322] : memref<4x128xi32, #tpu.memory_space<vmem>> -> memref<1x128xi32, #tpu.memory_space<vmem>>
      %dma_start3A_324 = tpu.memref_squeeze %dma_start3A_323 : memref<1x128xi32, #tpu.memory_space<vmem>> -> memref<128xi32, #tpu.memory_space<vmem>>
      %dma_start3A_325 = tpu.memref_slice %arg3[%add3A_12] : memref<16384xi32, #tpu.memory_space<hbm>> -> memref<128xi32, #tpu.memory_space<hbm>>
      tpu.enqueue_dma source(%dma_start3A_325 : memref<128xi32, #tpu.memory_space<hbm>>) target(%dma_start3A_324 : memref<128xi32, #tpu.memory_space<vmem>>) target_semaphore(%run_scoped3A_317 : memref<!tpu.dma_semaphore, #tpu.memory_space<semaphore_mem>>)
      %dma_wait3A_326 = arith.constant 0 : i32
      %dma_wait3A_327 = tpu.memref_slice %arg10[%run_scoped3A_13, %dma_wait3A_326] : memref<4x128xi32, #tpu.memory_space<vmem>> -> memref<1x128xi32, #tpu.memory_space<vmem>>
      %dma_wait3A_328 = tpu.memref_squeeze %dma_wait3A_327 : memref<1x128xi32, #tpu.memory_space<vmem>> -> memref<128xi32, #tpu.memory_space<vmem>>
      %dma_wait3A_329 = tpu.memref_slice %arg3[%add3A_12] : memref<16384xi32, #tpu.memory_space<hbm>> -> memref<128xi32, #tpu.memory_space<hbm>>
      %dma_wait3A_330 = arith.constant 0 : i32
      %dma_wait3A_331 = tpu.memref_slice %arg10[%run_scoped3A_13, %dma_wait3A_330] : memref<4x128xi32, #tpu.memory_space<vmem>> -> memref<1x128xi32, #tpu.memory_space<vmem>>
      %dma_wait3A_332 = tpu.memref_squeeze %dma_wait3A_331 : memref<1x128xi32, #tpu.memory_space<vmem>> -> memref<128xi32, #tpu.memory_space<vmem>>
      %dma_wait3A_333 = tpu.memref_slice %arg3[%add3A_12] : memref<16384xi32, #tpu.memory_space<hbm>> -> memref<128xi32, #tpu.memory_space<hbm>>
      tpu.wait_dma2 semaphore(%run_scoped3A_317 : memref<!tpu.dma_semaphore, #tpu.memory_space<semaphore_mem>>) src(%dma_wait3A_333 : memref<128xi32, #tpu.memory_space<hbm>>) dst(%dma_wait3A_332 : memref<128xi32, #tpu.memory_space<vmem>>)
      tpu.yield
    }) : () -> ()
    %add3A_14 = arith.constant 256 : i32
    %add3A_15 = arith.addi %mul3A_2, %add3A_14 : i32
    %run_scoped3A_16 = arith.constant 2 : i32
    "tpu.region"() ({
      %run_scoped3A_317 = tpu.sem_alloc : memref<!tpu.dma_semaphore, #tpu.memory_space<semaphore_mem>>
      %dma_start3A_318 = arith.constant 0 : i32
      %dma_start3A_319 = tpu.memref_slice %arg9[%run_scoped3A_16, %dma_start3A_318] : memref<4x128xi32, #tpu.memory_space<vmem>> -> memref<1x128xi32, #tpu.memory_space<vmem>>
      %dma_start3A_320 = tpu.memref_squeeze %dma_start3A_319 : memref<1x128xi32, #tpu.memory_space<vmem>> -> memref<128xi32, #tpu.memory_space<vmem>>
      %dma_start3A_321 = tpu.memref_slice %arg2[%add3A_15] : memref<16384xi32, #tpu.memory_space<hbm>> -> memref<128xi32, #tpu.memory_space<hbm>>
      %dma_start3A_322 = arith.constant 0 : i32
      %dma_start3A_323 = tpu.memref_slice %arg9[%run_scoped3A_16, %dma_start3A_322] : memref<4x128xi32, #tpu.memory_space<vmem>> -> memref<1x128xi32, #tpu.memory_space<vmem>>
      %dma_start3A_324 = tpu.memref_squeeze %dma_start3A_323 : memref<1x128xi32, #tpu.memory_space<vmem>> -> memref<128xi32, #tpu.memory_space<vmem>>
      %dma_start3A_325 = tpu.memref_slice %arg2[%add3A_15] : memref<16384xi32, #tpu.memory_space<hbm>> -> memref<128xi32, #tpu.memory_space<hbm>>
      tpu.enqueue_dma source(%dma_start3A_325 : memref<128xi32, #tpu.memory_space<hbm>>) target(%dma_start3A_324 : memref<128xi32, #tpu.memory_space<vmem>>) target_semaphore(%run_scoped3A_317 : memref<!tpu.dma_semaphore, #tpu.memory_space<semaphore_mem>>)
      %dma_wait3A_326 = arith.constant 0 : i32
      %dma_wait3A_327 = tpu.memref_slice %arg9[%run_scoped3A_16, %dma_wait3A_326] : memref<4x128xi32, #tpu.memory_space<vmem>> -> memref<1x128xi32, #tpu.memory_space<vmem>>
      %dma_wait3A_328 = tpu.memref_squeeze %dma_wait3A_327 : memref<1x128xi32, #tpu.memory_space<vmem>> -> memref<128xi32, #tpu.memory_space<vmem>>
      %dma_wait3A_329 = tpu.memref_slice %arg2[%add3A_15] : memref<16384xi32, #tpu.memory_space<hbm>> -> memref<128xi32, #tpu.memory_space<hbm>>
      %dma_wait3A_330 = arith.constant 0 : i32
      %dma_wait3A_331 = tpu.memref_slice %arg9[%run_scoped3A_16, %dma_wait3A_330] : memref<4x128xi32, #tpu.memory_space<vmem>> -> memref<1x128xi32, #tpu.memory_space<vmem>>
      %dma_wait3A_332 = tpu.memref_squeeze %dma_wait3A_331 : memref<1x128xi32, #tpu.memory_space<vmem>> -> memref<128xi32, #tpu.memory_space<vmem>>
      %dma_wait3A_333 = tpu.memref_slice %arg2[%add3A_15] : memref<16384xi32, #tpu.memory_space<hbm>> -> memref<128xi32, #tpu.memory_space<hbm>>
      tpu.wait_dma2 semaphore(%run_scoped3A_317 : memref<!tpu.dma_semaphore, #tpu.memory_space<semaphore_mem>>) src(%dma_wait3A_333 : memref<128xi32, #tpu.memory_space<hbm>>) dst(%dma_wait3A_332 : memref<128xi32, #tpu.memory_space<vmem>>)
      tpu.yield
    }) : () -> ()
    %add3A_17 = arith.constant 256 : i32
    %add3A_18 = arith.addi %mul3A_2, %add3A_17 : i32
    %run_scoped3A_19 = arith.constant 2 : i32
    "tpu.region"() ({
      %run_scoped3A_317 = tpu.sem_alloc : memref<!tpu.dma_semaphore, #tpu.memory_space<semaphore_mem>>
      %dma_start3A_318 = arith.constant 0 : i32
      %dma_start3A_319 = tpu.memref_slice %arg10[%run_scoped3A_19, %dma_start3A_318] : memref<4x128xi32, #tpu.memory_space<vmem>> -> memref<1x128xi32, #tpu.memory_space<vmem>>
      %dma_start3A_320 = tpu.memref_squeeze %dma_start3A_319 : memref<1x128xi32, #tpu.memory_space<vmem>> -> memref<128xi32, #tpu.memory_space<vmem>>
      %dma_start3A_321 = tpu.memref_slice %arg3[%add3A_18] : memref<16384xi32, #tpu.memory_space<hbm>> -> memref<128xi32, #tpu.memory_space<hbm>>
      %dma_start3A_322 = arith.constant 0 : i32
      %dma_start3A_323 = tpu.memref_slice %arg10[%run_scoped3A_19, %dma_start3A_322] : memref<4x128xi32, #tpu.memory_space<vmem>> -> memref<1x128xi32, #tpu.memory_space<vmem>>
      %dma_start3A_324 = tpu.memref_squeeze %dma_start3A_323 : memref<1x128xi32, #tpu.memory_space<vmem>> -> memref<128xi32, #tpu.memory_space<vmem>>
      %dma_start3A_325 = tpu.memref_slice %arg3[%add3A_18] : memref<16384xi32, #tpu.memory_space<hbm>> -> memref<128xi32, #tpu.memory_space<hbm>>
      tpu.enqueue_dma source(%dma_start3A_325 : memref<128xi32, #tpu.memory_space<hbm>>) target(%dma_start3A_324 : memref<128xi32, #tpu.memory_space<vmem>>) target_semaphore(%run_scoped3A_317 : memref<!tpu.dma_semaphore, #tpu.memory_space<semaphore_mem>>)
      %dma_wait3A_326 = arith.constant 0 : i32
      %dma_wait3A_327 = tpu.memref_slice %arg10[%run_scoped3A_19, %dma_wait3A_326] : memref<4x128xi32, #tpu.memory_space<vmem>> -> memref<1x128xi32, #tpu.memory_space<vmem>>
      %dma_wait3A_328 = tpu.memref_squeeze %dma_wait3A_327 : memref<1x128xi32, #tpu.memory_space<vmem>> -> memref<128xi32, #tpu.memory_space<vmem>>
      %dma_wait3A_329 = tpu.memref_slice %arg3[%add3A_18] : memref<16384xi32, #tpu.memory_space<hbm>> -> memref<128xi32, #tpu.memory_space<hbm>>
      %dma_wait3A_330 = arith.constant 0 : i32
      %dma_wait3A_331 = tpu.memref_slice %arg10[%run_scoped3A_19, %dma_wait3A_330] : memref<4x128xi32, #tpu.memory_space<vmem>> -> memref<1x128xi32, #tpu.memory_space<vmem>>
      %dma_wait3A_332 = tpu.memref_squeeze %dma_wait3A_331 : memref<1x128xi32, #tpu.memory_space<vmem>> -> memref<128xi32, #tpu.memory_space<vmem>>
      %dma_wait3A_333 = tpu.memref_slice %arg3[%add3A_18] : memref<16384xi32, #tpu.memory_space<hbm>> -> memref<128xi32, #tpu.memory_space<hbm>>
      tpu.wait_dma2 semaphore(%run_scoped3A_317 : memref<!tpu.dma_semaphore, #tpu.memory_space<semaphore_mem>>) src(%dma_wait3A_333 : memref<128xi32, #tpu.memory_space<hbm>>) dst(%dma_wait3A_332 : memref<128xi32, #tpu.memory_space<vmem>>)
      tpu.yield
    }) : () -> ()
    %add3A_20 = arith.constant 384 : i32
    %add3A_21 = arith.addi %mul3A_2, %add3A_20 : i32
    %run_scoped3A_22 = arith.constant 3 : i32
    "tpu.region"() ({
      %run_scoped3A_317 = tpu.sem_alloc : memref<!tpu.dma_semaphore, #tpu.memory_space<semaphore_mem>>
      %dma_start3A_318 = arith.constant 0 : i32
      %dma_start3A_319 = tpu.memref_slice %arg9[%run_scoped3A_22, %dma_start3A_318] : memref<4x128xi32, #tpu.memory_space<vmem>> -> memref<1x128xi32, #tpu.memory_space<vmem>>
      %dma_start3A_320 = tpu.memref_squeeze %dma_start3A_319 : memref<1x128xi32, #tpu.memory_space<vmem>> -> memref<128xi32, #tpu.memory_space<vmem>>
      %dma_start3A_321 = tpu.memref_slice %arg2[%add3A_21] : memref<16384xi32, #tpu.memory_space<hbm>> -> memref<128xi32, #tpu.memory_space<hbm>>
      %dma_start3A_322 = arith.constant 0 : i32
      %dma_start3A_323 = tpu.memref_slice %arg9[%run_scoped3A_22, %dma_start3A_322] : memref<4x128xi32, #tpu.memory_space<vmem>> -> memref<1x128xi32, #tpu.memory_space<vmem>>
      %dma_start3A_324 = tpu.memref_squeeze %dma_start3A_323 : memref<1x128xi32, #tpu.memory_space<vmem>> -> memref<128xi32, #tpu.memory_space<vmem>>
      %dma_start3A_325 = tpu.memref_slice %arg2[%add3A_21] : memref<16384xi32, #tpu.memory_space<hbm>> -> memref<128xi32, #tpu.memory_space<hbm>>
      tpu.enqueue_dma source(%dma_start3A_325 : memref<128xi32, #tpu.memory_space<hbm>>) target(%dma_start3A_324 : memref<128xi32, #tpu.memory_space<vmem>>) target_semaphore(%run_scoped3A_317 : memref<!tpu.dma_semaphore, #tpu.memory_space<semaphore_mem>>)
      %dma_wait3A_326 = arith.constant 0 : i32
      %dma_wait3A_327 = tpu.memref_slice %arg9[%run_scoped3A_22, %dma_wait3A_326] : memref<4x128xi32, #tpu.memory_space<vmem>> -> memref<1x128xi32, #tpu.memory_space<vmem>>
      %dma_wait3A_328 = tpu.memref_squeeze %dma_wait3A_327 : memref<1x128xi32, #tpu.memory_space<vmem>> -> memref<128xi32, #tpu.memory_space<vmem>>
      %dma_wait3A_329 = tpu.memref_slice %arg2[%add3A_21] : memref<16384xi32, #tpu.memory_space<hbm>> -> memref<128xi32, #tpu.memory_space<hbm>>
      %dma_wait3A_330 = arith.constant 0 : i32
      %dma_wait3A_331 = tpu.memref_slice %arg9[%run_scoped3A_22, %dma_wait3A_330] : memref<4x128xi32, #tpu.memory_space<vmem>> -> memref<1x128xi32, #tpu.memory_space<vmem>>
      %dma_wait3A_332 = tpu.memref_squeeze %dma_wait3A_331 : memref<1x128xi32, #tpu.memory_space<vmem>> -> memref<128xi32, #tpu.memory_space<vmem>>
      %dma_wait3A_333 = tpu.memref_slice %arg2[%add3A_21] : memref<16384xi32, #tpu.memory_space<hbm>> -> memref<128xi32, #tpu.memory_space<hbm>>
      tpu.wait_dma2 semaphore(%run_scoped3A_317 : memref<!tpu.dma_semaphore, #tpu.memory_space<semaphore_mem>>) src(%dma_wait3A_333 : memref<128xi32, #tpu.memory_space<hbm>>) dst(%dma_wait3A_332 : memref<128xi32, #tpu.memory_space<vmem>>)
      tpu.yield
    }) : () -> ()
    %add3A_23 = arith.constant 384 : i32
    %add3A_24 = arith.addi %mul3A_2, %add3A_23 : i32
    %run_scoped3A_25 = arith.constant 3 : i32
    "tpu.region"() ({
      %run_scoped3A_317 = tpu.sem_alloc : memref<!tpu.dma_semaphore, #tpu.memory_space<semaphore_mem>>
      %dma_start3A_318 = arith.constant 0 : i32
      %dma_start3A_319 = tpu.memref_slice %arg10[%run_scoped3A_25, %dma_start3A_318] : memref<4x128xi32, #tpu.memory_space<vmem>> -> memref<1x128xi32, #tpu.memory_space<vmem>>
      %dma_start3A_320 = tpu.memref_squeeze %dma_start3A_319 : memref<1x128xi32, #tpu.memory_space<vmem>> -> memref<128xi32, #tpu.memory_space<vmem>>
      %dma_start3A_321 = tpu.memref_slice %arg3[%add3A_24] : memref<16384xi32, #tpu.memory_space<hbm>> -> memref<128xi32, #tpu.memory_space<hbm>>
      %dma_start3A_322 = arith.constant 0 : i32
      %dma_start3A_323 = tpu.memref_slice %arg10[%run_scoped3A_25, %dma_start3A_322] : memref<4x128xi32, #tpu.memory_space<vmem>> -> memref<1x128xi32, #tpu.memory_space<vmem>>
      %dma_start3A_324 = tpu.memref_squeeze %dma_start3A_323 : memref<1x128xi32, #tpu.memory_space<vmem>> -> memref<128xi32, #tpu.memory_space<vmem>>
      %dma_start3A_325 = tpu.memref_slice %arg3[%add3A_24] : memref<16384xi32, #tpu.memory_space<hbm>> -> memref<128xi32, #tpu.memory_space<hbm>>
      tpu.enqueue_dma source(%dma_start3A_325 : memref<128xi32, #tpu.memory_space<hbm>>) target(%dma_start3A_324 : memref<128xi32, #tpu.memory_space<vmem>>) target_semaphore(%run_scoped3A_317 : memref<!tpu.dma_semaphore, #tpu.memory_space<semaphore_mem>>)
      %dma_wait3A_326 = arith.constant 0 : i32
      %dma_wait3A_327 = tpu.memref_slice %arg10[%run_scoped3A_25, %dma_wait3A_326] : memref<4x128xi32, #tpu.memory_space<vmem>> -> memref<1x128xi32, #tpu.memory_space<vmem>>
      %dma_wait3A_328 = tpu.memref_squeeze %dma_wait3A_327 : memref<1x128xi32, #tpu.memory_space<vmem>> -> memref<128xi32, #tpu.memory_space<vmem>>
      %dma_wait3A_329 = tpu.memref_slice %arg3[%add3A_24] : memref<16384xi32, #tpu.memory_space<hbm>> -> memref<128xi32, #tpu.memory_space<hbm>>
      %dma_wait3A_330 = arith.constant 0 : i32
      %dma_wait3A_331 = tpu.memref_slice %arg10[%run_scoped3A_25, %dma_wait3A_330] : memref<4x128xi32, #tpu.memory_space<vmem>> -> memref<1x128xi32, #tpu.memory_space<vmem>>
      %dma_wait3A_332 = tpu.memref_squeeze %dma_wait3A_331 : memref<1x128xi32, #tpu.memory_space<vmem>> -> memref<128xi32, #tpu.memory_space<vmem>>
      %dma_wait3A_333 = tpu.memref_slice %arg3[%add3A_24] : memref<16384xi32, #tpu.memory_space<hbm>> -> memref<128xi32, #tpu.memory_space<hbm>>
      tpu.wait_dma2 semaphore(%run_scoped3A_317 : memref<!tpu.dma_semaphore, #tpu.memory_space<semaphore_mem>>) src(%dma_wait3A_333 : memref<128xi32, #tpu.memory_space<hbm>>) dst(%dma_wait3A_332 : memref<128xi32, #tpu.memory_space<vmem>>)
      tpu.yield
    }) : () -> ()
    %dma_start3A = arith.constant 0 : i32
    %dma_start3A_26 = arith.constant 0 : i32
    %dma_start3A_27 = arith.constant 0 : i32
    %dma_start3A_28 = tpu.memref_slice %arg11[%dma_start3A_26, %dma_start3A_27] : memref<512x32xf32, #tpu.memory_space<vmem>> -> memref<128x32xf32, #tpu.memory_space<vmem>>
    %dma_start3A_29 = arith.constant 0 : i32
    %dma_start3A_30 = tpu.memref_slice %arg9[%dma_start3A, %dma_start3A_29] : memref<4x128xi32, #tpu.memory_space<vmem>> -> memref<1x128xi32, #tpu.memory_space<vmem>>
    %dma_start3A_31 = tpu.memref_squeeze %dma_start3A_30 : memref<1x128xi32, #tpu.memory_space<vmem>> -> memref<128xi32, #tpu.memory_space<vmem>>
    %dma_start3A_32 = arith.constant 0 : i32
    %dma_start3A_33 = arith.constant 0 : i32
    %dma_start3A_34 = tpu.memref_slice %arg4[%dma_start3A_32, %dma_start3A_33] : memref<1000000x32xf32, #tpu.memory_space<hbm>> -> memref<1000000x32xf32, #tpu.memory_space<hbm>>
    tpu.enqueue_indirect_dma source(%dma_start3A_34 : memref<1000000x32xf32, #tpu.memory_space<hbm>>) target(%dma_start3A_28 : memref<128x32xf32, #tpu.memory_space<vmem>>) offsets(%dma_start3A_31 : memref<128xi32, #tpu.memory_space<vmem>>) semaphore(%arg16 : memref<!tpu.dma_semaphore, #tpu.memory_space<semaphore_mem>>)
    %dma_start3A_35 = arith.constant 0 : i32
    %dma_start3A_36 = arith.constant 0 : i32
    %dma_start3A_37 = arith.constant 0 : i32
    %dma_start3A_38 = tpu.memref_slice %arg12[%dma_start3A_36, %dma_start3A_37] : memref<512x32xf32, #tpu.memory_space<vmem>> -> memref<128x32xf32, #tpu.memory_space<vmem>>
    %dma_start3A_39 = arith.constant 0 : i32
    %dma_start3A_40 = tpu.memref_slice %arg10[%dma_start3A_35, %dma_start3A_39] : memref<4x128xi32, #tpu.memory_space<vmem>> -> memref<1x128xi32, #tpu.memory_space<vmem>>
    %dma_start3A_41 = tpu.memref_squeeze %dma_start3A_40 : memref<1x128xi32, #tpu.memory_space<vmem>> -> memref<128xi32, #tpu.memory_space<vmem>>
    %dma_start3A_42 = arith.constant 0 : i32
    %dma_start3A_43 = arith.constant 0 : i32
    %dma_start3A_44 = tpu.memref_slice %arg5[%dma_start3A_42, %dma_start3A_43] : memref<1000000x32xf32, #tpu.memory_space<hbm>> -> memref<1000000x32xf32, #tpu.memory_space<hbm>>
    tpu.enqueue_indirect_dma source(%dma_start3A_44 : memref<1000000x32xf32, #tpu.memory_space<hbm>>) target(%dma_start3A_38 : memref<128x32xf32, #tpu.memory_space<vmem>>) offsets(%dma_start3A_41 : memref<128xi32, #tpu.memory_space<vmem>>) semaphore(%arg16 : memref<!tpu.dma_semaphore, #tpu.memory_space<semaphore_mem>>)
    %dma_start3A_45 = arith.constant 0 : i32
    %dma_start3A_46 = arith.constant 0 : i32
    %dma_start3A_47 = tpu.memref_slice %arg13[%dma_start3A_46] : memref<512xf32, #tpu.memory_space<vmem>> -> memref<128xf32, #tpu.memory_space<vmem>>
    %dma_start3A_48 = arith.constant 0 : i32
    %dma_start3A_49 = tpu.memref_slice %arg9[%dma_start3A_45, %dma_start3A_48] : memref<4x128xi32, #tpu.memory_space<vmem>> -> memref<1x128xi32, #tpu.memory_space<vmem>>
    %dma_start3A_50 = tpu.memref_squeeze %dma_start3A_49 : memref<1x128xi32, #tpu.memory_space<vmem>> -> memref<128xi32, #tpu.memory_space<vmem>>
    %dma_start3A_51 = arith.constant 0 : i32
    %dma_start3A_52 = tpu.memref_slice %arg6[%dma_start3A_51] : memref<1000000xf32, #tpu.memory_space<hbm>> -> memref<1000000xf32, #tpu.memory_space<hbm>>
    tpu.enqueue_indirect_dma source(%dma_start3A_52 : memref<1000000xf32, #tpu.memory_space<hbm>>) target(%dma_start3A_47 : memref<128xf32, #tpu.memory_space<vmem>>) offsets(%dma_start3A_50 : memref<128xi32, #tpu.memory_space<vmem>>) semaphore(%arg16 : memref<!tpu.dma_semaphore, #tpu.memory_space<semaphore_mem>>)
    %dma_start3A_53 = arith.constant 0 : i32
    %dma_start3A_54 = arith.constant 0 : i32
    %dma_start3A_55 = tpu.memref_slice %arg14[%dma_start3A_54] : memref<512xf32, #tpu.memory_space<vmem>> -> memref<128xf32, #tpu.memory_space<vmem>>
    %dma_start3A_56 = arith.constant 0 : i32
    %dma_start3A_57 = tpu.memref_slice %arg10[%dma_start3A_53, %dma_start3A_56] : memref<4x128xi32, #tpu.memory_space<vmem>> -> memref<1x128xi32, #tpu.memory_space<vmem>>
    %dma_start3A_58 = tpu.memref_squeeze %dma_start3A_57 : memref<1x128xi32, #tpu.memory_space<vmem>> -> memref<128xi32, #tpu.memory_space<vmem>>
    %dma_start3A_59 = arith.constant 0 : i32
    %dma_start3A_60 = tpu.memref_slice %arg7[%dma_start3A_59] : memref<1000000xf32, #tpu.memory_space<hbm>> -> memref<1000000xf32, #tpu.memory_space<hbm>>
    tpu.enqueue_indirect_dma source(%dma_start3A_60 : memref<1000000xf32, #tpu.memory_space<hbm>>) target(%dma_start3A_55 : memref<128xf32, #tpu.memory_space<vmem>>) offsets(%dma_start3A_58 : memref<128xi32, #tpu.memory_space<vmem>>) semaphore(%arg16 : memref<!tpu.dma_semaphore, #tpu.memory_space<semaphore_mem>>)
    %dma_start3A_61 = arith.constant 1 : i32
    %dma_start3A_62 = arith.constant 128 : i32
    %dma_start3A_63 = arith.constant 0 : i32
    %dma_start3A_64 = tpu.memref_slice %arg11[%dma_start3A_62, %dma_start3A_63] : memref<512x32xf32, #tpu.memory_space<vmem>> -> memref<128x32xf32, #tpu.memory_space<vmem>>
    %dma_start3A_65 = arith.constant 0 : i32
    %dma_start3A_66 = tpu.memref_slice %arg9[%dma_start3A_61, %dma_start3A_65] : memref<4x128xi32, #tpu.memory_space<vmem>> -> memref<1x128xi32, #tpu.memory_space<vmem>>
    %dma_start3A_67 = tpu.memref_squeeze %dma_start3A_66 : memref<1x128xi32, #tpu.memory_space<vmem>> -> memref<128xi32, #tpu.memory_space<vmem>>
    %dma_start3A_68 = arith.constant 0 : i32
    %dma_start3A_69 = arith.constant 0 : i32
    %dma_start3A_70 = tpu.memref_slice %arg4[%dma_start3A_68, %dma_start3A_69] : memref<1000000x32xf32, #tpu.memory_space<hbm>> -> memref<1000000x32xf32, #tpu.memory_space<hbm>>
    tpu.enqueue_indirect_dma source(%dma_start3A_70 : memref<1000000x32xf32, #tpu.memory_space<hbm>>) target(%dma_start3A_64 : memref<128x32xf32, #tpu.memory_space<vmem>>) offsets(%dma_start3A_67 : memref<128xi32, #tpu.memory_space<vmem>>) semaphore(%arg16 : memref<!tpu.dma_semaphore, #tpu.memory_space<semaphore_mem>>)
    %dma_start3A_71 = arith.constant 1 : i32
    %dma_start3A_72 = arith.constant 128 : i32
    %dma_start3A_73 = arith.constant 0 : i32
    %dma_start3A_74 = tpu.memref_slice %arg12[%dma_start3A_72, %dma_start3A_73] : memref<512x32xf32, #tpu.memory_space<vmem>> -> memref<128x32xf32, #tpu.memory_space<vmem>>
    %dma_start3A_75 = arith.constant 0 : i32
    %dma_start3A_76 = tpu.memref_slice %arg10[%dma_start3A_71, %dma_start3A_75] : memref<4x128xi32, #tpu.memory_space<vmem>> -> memref<1x128xi32, #tpu.memory_space<vmem>>
    %dma_start3A_77 = tpu.memref_squeeze %dma_start3A_76 : memref<1x128xi32, #tpu.memory_space<vmem>> -> memref<128xi32, #tpu.memory_space<vmem>>
    %dma_start3A_78 = arith.constant 0 : i32
    %dma_start3A_79 = arith.constant 0 : i32
    %dma_start3A_80 = tpu.memref_slice %arg5[%dma_start3A_78, %dma_start3A_79] : memref<1000000x32xf32, #tpu.memory_space<hbm>> -> memref<1000000x32xf32, #tpu.memory_space<hbm>>
    tpu.enqueue_indirect_dma source(%dma_start3A_80 : memref<1000000x32xf32, #tpu.memory_space<hbm>>) target(%dma_start3A_74 : memref<128x32xf32, #tpu.memory_space<vmem>>) offsets(%dma_start3A_77 : memref<128xi32, #tpu.memory_space<vmem>>) semaphore(%arg16 : memref<!tpu.dma_semaphore, #tpu.memory_space<semaphore_mem>>)
    %dma_start3A_81 = arith.constant 1 : i32
    %dma_start3A_82 = arith.constant 128 : i32
    %dma_start3A_83 = tpu.memref_slice %arg13[%dma_start3A_82] : memref<512xf32, #tpu.memory_space<vmem>> -> memref<128xf32, #tpu.memory_space<vmem>>
    %dma_start3A_84 = arith.constant 0 : i32
    %dma_start3A_85 = tpu.memref_slice %arg9[%dma_start3A_81, %dma_start3A_84] : memref<4x128xi32, #tpu.memory_space<vmem>> -> memref<1x128xi32, #tpu.memory_space<vmem>>
    %dma_start3A_86 = tpu.memref_squeeze %dma_start3A_85 : memref<1x128xi32, #tpu.memory_space<vmem>> -> memref<128xi32, #tpu.memory_space<vmem>>
    %dma_start3A_87 = arith.constant 0 : i32
    %dma_start3A_88 = tpu.memref_slice %arg6[%dma_start3A_87] : memref<1000000xf32, #tpu.memory_space<hbm>> -> memref<1000000xf32, #tpu.memory_space<hbm>>
    tpu.enqueue_indirect_dma source(%dma_start3A_88 : memref<1000000xf32, #tpu.memory_space<hbm>>) target(%dma_start3A_83 : memref<128xf32, #tpu.memory_space<vmem>>) offsets(%dma_start3A_86 : memref<128xi32, #tpu.memory_space<vmem>>) semaphore(%arg16 : memref<!tpu.dma_semaphore, #tpu.memory_space<semaphore_mem>>)
    %dma_start3A_89 = arith.constant 1 : i32
    %dma_start3A_90 = arith.constant 128 : i32
    %dma_start3A_91 = tpu.memref_slice %arg14[%dma_start3A_90] : memref<512xf32, #tpu.memory_space<vmem>> -> memref<128xf32, #tpu.memory_space<vmem>>
    %dma_start3A_92 = arith.constant 0 : i32
    %dma_start3A_93 = tpu.memref_slice %arg10[%dma_start3A_89, %dma_start3A_92] : memref<4x128xi32, #tpu.memory_space<vmem>> -> memref<1x128xi32, #tpu.memory_space<vmem>>
    %dma_start3A_94 = tpu.memref_squeeze %dma_start3A_93 : memref<1x128xi32, #tpu.memory_space<vmem>> -> memref<128xi32, #tpu.memory_space<vmem>>
    %dma_start3A_95 = arith.constant 0 : i32
    %dma_start3A_96 = tpu.memref_slice %arg7[%dma_start3A_95] : memref<1000000xf32, #tpu.memory_space<hbm>> -> memref<1000000xf32, #tpu.memory_space<hbm>>
    tpu.enqueue_indirect_dma source(%dma_start3A_96 : memref<1000000xf32, #tpu.memory_space<hbm>>) target(%dma_start3A_91 : memref<128xf32, #tpu.memory_space<vmem>>) offsets(%dma_start3A_94 : memref<128xi32, #tpu.memory_space<vmem>>) semaphore(%arg16 : memref<!tpu.dma_semaphore, #tpu.memory_space<semaphore_mem>>)
    %dma_start3A_97 = arith.constant 2 : i32
    %dma_start3A_98 = arith.constant 256 : i32
    %dma_start3A_99 = arith.constant 0 : i32
    %dma_start3A_100 = tpu.memref_slice %arg11[%dma_start3A_98, %dma_start3A_99] : memref<512x32xf32, #tpu.memory_space<vmem>> -> memref<128x32xf32, #tpu.memory_space<vmem>>
    %dma_start3A_101 = arith.constant 0 : i32
    %dma_start3A_102 = tpu.memref_slice %arg9[%dma_start3A_97, %dma_start3A_101] : memref<4x128xi32, #tpu.memory_space<vmem>> -> memref<1x128xi32, #tpu.memory_space<vmem>>
    %dma_start3A_103 = tpu.memref_squeeze %dma_start3A_102 : memref<1x128xi32, #tpu.memory_space<vmem>> -> memref<128xi32, #tpu.memory_space<vmem>>
    %dma_start3A_104 = arith.constant 0 : i32
    %dma_start3A_105 = arith.constant 0 : i32
    %dma_start3A_106 = tpu.memref_slice %arg4[%dma_start3A_104, %dma_start3A_105] : memref<1000000x32xf32, #tpu.memory_space<hbm>> -> memref<1000000x32xf32, #tpu.memory_space<hbm>>
    tpu.enqueue_indirect_dma source(%dma_start3A_106 : memref<1000000x32xf32, #tpu.memory_space<hbm>>) target(%dma_start3A_100 : memref<128x32xf32, #tpu.memory_space<vmem>>) offsets(%dma_start3A_103 : memref<128xi32, #tpu.memory_space<vmem>>) semaphore(%arg16 : memref<!tpu.dma_semaphore, #tpu.memory_space<semaphore_mem>>)
    %dma_start3A_107 = arith.constant 2 : i32
    %dma_start3A_108 = arith.constant 256 : i32
    %dma_start3A_109 = arith.constant 0 : i32
    %dma_start3A_110 = tpu.memref_slice %arg12[%dma_start3A_108, %dma_start3A_109] : memref<512x32xf32, #tpu.memory_space<vmem>> -> memref<128x32xf32, #tpu.memory_space<vmem>>
    %dma_start3A_111 = arith.constant 0 : i32
    %dma_start3A_112 = tpu.memref_slice %arg10[%dma_start3A_107, %dma_start3A_111] : memref<4x128xi32, #tpu.memory_space<vmem>> -> memref<1x128xi32, #tpu.memory_space<vmem>>
    %dma_start3A_113 = tpu.memref_squeeze %dma_start3A_112 : memref<1x128xi32, #tpu.memory_space<vmem>> -> memref<128xi32, #tpu.memory_space<vmem>>
    %dma_start3A_114 = arith.constant 0 : i32
    %dma_start3A_115 = arith.constant 0 : i32
    %dma_start3A_116 = tpu.memref_slice %arg5[%dma_start3A_114, %dma_start3A_115] : memref<1000000x32xf32, #tpu.memory_space<hbm>> -> memref<1000000x32xf32, #tpu.memory_space<hbm>>
    tpu.enqueue_indirect_dma source(%dma_start3A_116 : memref<1000000x32xf32, #tpu.memory_space<hbm>>) target(%dma_start3A_110 : memref<128x32xf32, #tpu.memory_space<vmem>>) offsets(%dma_start3A_113 : memref<128xi32, #tpu.memory_space<vmem>>) semaphore(%arg16 : memref<!tpu.dma_semaphore, #tpu.memory_space<semaphore_mem>>)
    %dma_start3A_117 = arith.constant 2 : i32
    %dma_start3A_118 = arith.constant 256 : i32
    %dma_start3A_119 = tpu.memref_slice %arg13[%dma_start3A_118] : memref<512xf32, #tpu.memory_space<vmem>> -> memref<128xf32, #tpu.memory_space<vmem>>
    %dma_start3A_120 = arith.constant 0 : i32
    %dma_start3A_121 = tpu.memref_slice %arg9[%dma_start3A_117, %dma_start3A_120] : memref<4x128xi32, #tpu.memory_space<vmem>> -> memref<1x128xi32, #tpu.memory_space<vmem>>
    %dma_start3A_122 = tpu.memref_squeeze %dma_start3A_121 : memref<1x128xi32, #tpu.memory_space<vmem>> -> memref<128xi32, #tpu.memory_space<vmem>>
    %dma_start3A_123 = arith.constant 0 : i32
    %dma_start3A_124 = tpu.memref_slice %arg6[%dma_start3A_123] : memref<1000000xf32, #tpu.memory_space<hbm>> -> memref<1000000xf32, #tpu.memory_space<hbm>>
    tpu.enqueue_indirect_dma source(%dma_start3A_124 : memref<1000000xf32, #tpu.memory_space<hbm>>) target(%dma_start3A_119 : memref<128xf32, #tpu.memory_space<vmem>>) offsets(%dma_start3A_122 : memref<128xi32, #tpu.memory_space<vmem>>) semaphore(%arg16 : memref<!tpu.dma_semaphore, #tpu.memory_space<semaphore_mem>>)
    %dma_start3A_125 = arith.constant 2 : i32
    %dma_start3A_126 = arith.constant 256 : i32
    %dma_start3A_127 = tpu.memref_slice %arg14[%dma_start3A_126] : memref<512xf32, #tpu.memory_space<vmem>> -> memref<128xf32, #tpu.memory_space<vmem>>
    %dma_start3A_128 = arith.constant 0 : i32
    %dma_start3A_129 = tpu.memref_slice %arg10[%dma_start3A_125, %dma_start3A_128] : memref<4x128xi32, #tpu.memory_space<vmem>> -> memref<1x128xi32, #tpu.memory_space<vmem>>
    %dma_start3A_130 = tpu.memref_squeeze %dma_start3A_129 : memref<1x128xi32, #tpu.memory_space<vmem>> -> memref<128xi32, #tpu.memory_space<vmem>>
    %dma_start3A_131 = arith.constant 0 : i32
    %dma_start3A_132 = tpu.memref_slice %arg7[%dma_start3A_131] : memref<1000000xf32, #tpu.memory_space<hbm>> -> memref<1000000xf32, #tpu.memory_space<hbm>>
    tpu.enqueue_indirect_dma source(%dma_start3A_132 : memref<1000000xf32, #tpu.memory_space<hbm>>) target(%dma_start3A_127 : memref<128xf32, #tpu.memory_space<vmem>>) offsets(%dma_start3A_130 : memref<128xi32, #tpu.memory_space<vmem>>) semaphore(%arg16 : memref<!tpu.dma_semaphore, #tpu.memory_space<semaphore_mem>>)
    %dma_start3A_133 = arith.constant 3 : i32
    %dma_start3A_134 = arith.constant 384 : i32
    %dma_start3A_135 = arith.constant 0 : i32
    %dma_start3A_136 = tpu.memref_slice %arg11[%dma_start3A_134, %dma_start3A_135] : memref<512x32xf32, #tpu.memory_space<vmem>> -> memref<128x32xf32, #tpu.memory_space<vmem>>
    %dma_start3A_137 = arith.constant 0 : i32
    %dma_start3A_138 = tpu.memref_slice %arg9[%dma_start3A_133, %dma_start3A_137] : memref<4x128xi32, #tpu.memory_space<vmem>> -> memref<1x128xi32, #tpu.memory_space<vmem>>
    %dma_start3A_139 = tpu.memref_squeeze %dma_start3A_138 : memref<1x128xi32, #tpu.memory_space<vmem>> -> memref<128xi32, #tpu.memory_space<vmem>>
    %dma_start3A_140 = arith.constant 0 : i32
    %dma_start3A_141 = arith.constant 0 : i32
    %dma_start3A_142 = tpu.memref_slice %arg4[%dma_start3A_140, %dma_start3A_141] : memref<1000000x32xf32, #tpu.memory_space<hbm>> -> memref<1000000x32xf32, #tpu.memory_space<hbm>>
    tpu.enqueue_indirect_dma source(%dma_start3A_142 : memref<1000000x32xf32, #tpu.memory_space<hbm>>) target(%dma_start3A_136 : memref<128x32xf32, #tpu.memory_space<vmem>>) offsets(%dma_start3A_139 : memref<128xi32, #tpu.memory_space<vmem>>) semaphore(%arg16 : memref<!tpu.dma_semaphore, #tpu.memory_space<semaphore_mem>>)
    %dma_start3A_143 = arith.constant 3 : i32
    %dma_start3A_144 = arith.constant 384 : i32
    %dma_start3A_145 = arith.constant 0 : i32
    %dma_start3A_146 = tpu.memref_slice %arg12[%dma_start3A_144, %dma_start3A_145] : memref<512x32xf32, #tpu.memory_space<vmem>> -> memref<128x32xf32, #tpu.memory_space<vmem>>
    %dma_start3A_147 = arith.constant 0 : i32
    %dma_start3A_148 = tpu.memref_slice %arg10[%dma_start3A_143, %dma_start3A_147] : memref<4x128xi32, #tpu.memory_space<vmem>> -> memref<1x128xi32, #tpu.memory_space<vmem>>
    %dma_start3A_149 = tpu.memref_squeeze %dma_start3A_148 : memref<1x128xi32, #tpu.memory_space<vmem>> -> memref<128xi32, #tpu.memory_space<vmem>>
    %dma_start3A_150 = arith.constant 0 : i32
    %dma_start3A_151 = arith.constant 0 : i32
    %dma_start3A_152 = tpu.memref_slice %arg5[%dma_start3A_150, %dma_start3A_151] : memref<1000000x32xf32, #tpu.memory_space<hbm>> -> memref<1000000x32xf32, #tpu.memory_space<hbm>>
    tpu.enqueue_indirect_dma source(%dma_start3A_152 : memref<1000000x32xf32, #tpu.memory_space<hbm>>) target(%dma_start3A_146 : memref<128x32xf32, #tpu.memory_space<vmem>>) offsets(%dma_start3A_149 : memref<128xi32, #tpu.memory_space<vmem>>) semaphore(%arg16 : memref<!tpu.dma_semaphore, #tpu.memory_space<semaphore_mem>>)
    %dma_start3A_153 = arith.constant 3 : i32
    %dma_start3A_154 = arith.constant 384 : i32
    %dma_start3A_155 = tpu.memref_slice %arg13[%dma_start3A_154] : memref<512xf32, #tpu.memory_space<vmem>> -> memref<128xf32, #tpu.memory_space<vmem>>
    %dma_start3A_156 = arith.constant 0 : i32
    %dma_start3A_157 = tpu.memref_slice %arg9[%dma_start3A_153, %dma_start3A_156] : memref<4x128xi32, #tpu.memory_space<vmem>> -> memref<1x128xi32, #tpu.memory_space<vmem>>
    %dma_start3A_158 = tpu.memref_squeeze %dma_start3A_157 : memref<1x128xi32, #tpu.memory_space<vmem>> -> memref<128xi32, #tpu.memory_space<vmem>>
    %dma_start3A_159 = arith.constant 0 : i32
    %dma_start3A_160 = tpu.memref_slice %arg6[%dma_start3A_159] : memref<1000000xf32, #tpu.memory_space<hbm>> -> memref<1000000xf32, #tpu.memory_space<hbm>>
    tpu.enqueue_indirect_dma source(%dma_start3A_160 : memref<1000000xf32, #tpu.memory_space<hbm>>) target(%dma_start3A_155 : memref<128xf32, #tpu.memory_space<vmem>>) offsets(%dma_start3A_158 : memref<128xi32, #tpu.memory_space<vmem>>) semaphore(%arg16 : memref<!tpu.dma_semaphore, #tpu.memory_space<semaphore_mem>>)
    %dma_start3A_161 = arith.constant 3 : i32
    %dma_start3A_162 = arith.constant 384 : i32
    %dma_start3A_163 = tpu.memref_slice %arg14[%dma_start3A_162] : memref<512xf32, #tpu.memory_space<vmem>> -> memref<128xf32, #tpu.memory_space<vmem>>
    %dma_start3A_164 = arith.constant 0 : i32
    %dma_start3A_165 = tpu.memref_slice %arg10[%dma_start3A_161, %dma_start3A_164] : memref<4x128xi32, #tpu.memory_space<vmem>> -> memref<1x128xi32, #tpu.memory_space<vmem>>
    %dma_start3A_166 = tpu.memref_squeeze %dma_start3A_165 : memref<1x128xi32, #tpu.memory_space<vmem>> -> memref<128xi32, #tpu.memory_space<vmem>>
    %dma_start3A_167 = arith.constant 0 : i32
    %dma_start3A_168 = tpu.memref_slice %arg7[%dma_start3A_167] : memref<1000000xf32, #tpu.memory_space<hbm>> -> memref<1000000xf32, #tpu.memory_space<hbm>>
    tpu.enqueue_indirect_dma source(%dma_start3A_168 : memref<1000000xf32, #tpu.memory_space<hbm>>) target(%dma_start3A_163 : memref<128xf32, #tpu.memory_space<vmem>>) offsets(%dma_start3A_166 : memref<128xi32, #tpu.memory_space<vmem>>) semaphore(%arg16 : memref<!tpu.dma_semaphore, #tpu.memory_space<semaphore_mem>>)
    %dma_wait3A = arith.constant 0 : i32
    %dma_wait3A_169 = arith.constant 0 : i32
    %dma_wait3A_170 = arith.constant 0 : i32
    %dma_wait3A_171 = tpu.memref_slice %arg11[%dma_wait3A_169, %dma_wait3A_170] : memref<512x32xf32, #tpu.memory_space<vmem>> -> memref<128x32xf32, #tpu.memory_space<vmem>>
    %dma_wait3A_172 = arith.constant 0 : i32
    %dma_wait3A_173 = tpu.memref_slice %arg9[%dma_wait3A, %dma_wait3A_172] : memref<4x128xi32, #tpu.memory_space<vmem>> -> memref<1x128xi32, #tpu.memory_space<vmem>>
    %dma_wait3A_174 = tpu.memref_squeeze %dma_wait3A_173 : memref<1x128xi32, #tpu.memory_space<vmem>> -> memref<128xi32, #tpu.memory_space<vmem>>
    %dma_wait3A_175 = arith.constant 0 : i32
    %dma_wait3A_176 = arith.constant 0 : i32
    %dma_wait3A_177 = tpu.memref_slice %arg4[%dma_wait3A_175, %dma_wait3A_176] : memref<1000000x32xf32, #tpu.memory_space<hbm>> -> memref<1000000x32xf32, #tpu.memory_space<hbm>>
    tpu.wait_indirect_dma semaphore(%arg16 : memref<!tpu.dma_semaphore, #tpu.memory_space<semaphore_mem>>) src(%dma_wait3A_177 : memref<1000000x32xf32, #tpu.memory_space<hbm>>) dst(%dma_wait3A_171 : memref<128x32xf32, #tpu.memory_space<vmem>>)
    %dma_wait3A_178 = arith.constant 0 : i32
    %dma_wait3A_179 = arith.constant 0 : i32
    %dma_wait3A_180 = arith.constant 0 : i32
    %dma_wait3A_181 = tpu.memref_slice %arg12[%dma_wait3A_179, %dma_wait3A_180] : memref<512x32xf32, #tpu.memory_space<vmem>> -> memref<128x32xf32, #tpu.memory_space<vmem>>
    %dma_wait3A_182 = arith.constant 0 : i32
    %dma_wait3A_183 = tpu.memref_slice %arg10[%dma_wait3A_178, %dma_wait3A_182] : memref<4x128xi32, #tpu.memory_space<vmem>> -> memref<1x128xi32, #tpu.memory_space<vmem>>
    %dma_wait3A_184 = tpu.memref_squeeze %dma_wait3A_183 : memref<1x128xi32, #tpu.memory_space<vmem>> -> memref<128xi32, #tpu.memory_space<vmem>>
    %dma_wait3A_185 = arith.constant 0 : i32
    %dma_wait3A_186 = arith.constant 0 : i32
    %dma_wait3A_187 = tpu.memref_slice %arg5[%dma_wait3A_185, %dma_wait3A_186] : memref<1000000x32xf32, #tpu.memory_space<hbm>> -> memref<1000000x32xf32, #tpu.memory_space<hbm>>
    tpu.wait_indirect_dma semaphore(%arg16 : memref<!tpu.dma_semaphore, #tpu.memory_space<semaphore_mem>>) src(%dma_wait3A_187 : memref<1000000x32xf32, #tpu.memory_space<hbm>>) dst(%dma_wait3A_181 : memref<128x32xf32, #tpu.memory_space<vmem>>)
    %dma_wait3A_188 = arith.constant 0 : i32
    %dma_wait3A_189 = arith.constant 0 : i32
    %dma_wait3A_190 = tpu.memref_slice %arg13[%dma_wait3A_189] : memref<512xf32, #tpu.memory_space<vmem>> -> memref<128xf32, #tpu.memory_space<vmem>>
    %dma_wait3A_191 = arith.constant 0 : i32
    %dma_wait3A_192 = tpu.memref_slice %arg9[%dma_wait3A_188, %dma_wait3A_191] : memref<4x128xi32, #tpu.memory_space<vmem>> -> memref<1x128xi32, #tpu.memory_space<vmem>>
    %dma_wait3A_193 = tpu.memref_squeeze %dma_wait3A_192 : memref<1x128xi32, #tpu.memory_space<vmem>> -> memref<128xi32, #tpu.memory_space<vmem>>
    %dma_wait3A_194 = arith.constant 0 : i32
    %dma_wait3A_195 = tpu.memref_slice %arg6[%dma_wait3A_194] : memref<1000000xf32, #tpu.memory_space<hbm>> -> memref<1000000xf32, #tpu.memory_space<hbm>>
    tpu.wait_indirect_dma semaphore(%arg16 : memref<!tpu.dma_semaphore, #tpu.memory_space<semaphore_mem>>) src(%dma_wait3A_195 : memref<1000000xf32, #tpu.memory_space<hbm>>) dst(%dma_wait3A_190 : memref<128xf32, #tpu.memory_space<vmem>>)
    %dma_wait3A_196 = arith.constant 0 : i32
    %dma_wait3A_197 = arith.constant 0 : i32
    %dma_wait3A_198 = tpu.memref_slice %arg14[%dma_wait3A_197] : memref<512xf32, #tpu.memory_space<vmem>> -> memref<128xf32, #tpu.memory_space<vmem>>
    %dma_wait3A_199 = arith.constant 0 : i32
    %dma_wait3A_200 = tpu.memref_slice %arg10[%dma_wait3A_196, %dma_wait3A_199] : memref<4x128xi32, #tpu.memory_space<vmem>> -> memref<1x128xi32, #tpu.memory_space<vmem>>
    %dma_wait3A_201 = tpu.memref_squeeze %dma_wait3A_200 : memref<1x128xi32, #tpu.memory_space<vmem>> -> memref<128xi32, #tpu.memory_space<vmem>>
    %dma_wait3A_202 = arith.constant 0 : i32
    %dma_wait3A_203 = tpu.memref_slice %arg7[%dma_wait3A_202] : memref<1000000xf32, #tpu.memory_space<hbm>> -> memref<1000000xf32, #tpu.memory_space<hbm>>
    tpu.wait_indirect_dma semaphore(%arg16 : memref<!tpu.dma_semaphore, #tpu.memory_space<semaphore_mem>>) src(%dma_wait3A_203 : memref<1000000xf32, #tpu.memory_space<hbm>>) dst(%dma_wait3A_198 : memref<128xf32, #tpu.memory_space<vmem>>)
    %dma_wait3A_204 = arith.constant 1 : i32
    %dma_wait3A_205 = arith.constant 128 : i32
    %dma_wait3A_206 = arith.constant 0 : i32
    %dma_wait3A_207 = tpu.memref_slice %arg11[%dma_wait3A_205, %dma_wait3A_206] : memref<512x32xf32, #tpu.memory_space<vmem>> -> memref<128x32xf32, #tpu.memory_space<vmem>>
    %dma_wait3A_208 = arith.constant 0 : i32
    %dma_wait3A_209 = tpu.memref_slice %arg9[%dma_wait3A_204, %dma_wait3A_208] : memref<4x128xi32, #tpu.memory_space<vmem>> -> memref<1x128xi32, #tpu.memory_space<vmem>>
    %dma_wait3A_210 = tpu.memref_squeeze %dma_wait3A_209 : memref<1x128xi32, #tpu.memory_space<vmem>> -> memref<128xi32, #tpu.memory_space<vmem>>
    %dma_wait3A_211 = arith.constant 0 : i32
    %dma_wait3A_212 = arith.constant 0 : i32
    %dma_wait3A_213 = tpu.memref_slice %arg4[%dma_wait3A_211, %dma_wait3A_212] : memref<1000000x32xf32, #tpu.memory_space<hbm>> -> memref<1000000x32xf32, #tpu.memory_space<hbm>>
    tpu.wait_indirect_dma semaphore(%arg16 : memref<!tpu.dma_semaphore, #tpu.memory_space<semaphore_mem>>) src(%dma_wait3A_213 : memref<1000000x32xf32, #tpu.memory_space<hbm>>) dst(%dma_wait3A_207 : memref<128x32xf32, #tpu.memory_space<vmem>>)
    %dma_wait3A_214 = arith.constant 1 : i32
    %dma_wait3A_215 = arith.constant 128 : i32
    %dma_wait3A_216 = arith.constant 0 : i32
    %dma_wait3A_217 = tpu.memref_slice %arg12[%dma_wait3A_215, %dma_wait3A_216] : memref<512x32xf32, #tpu.memory_space<vmem>> -> memref<128x32xf32, #tpu.memory_space<vmem>>
    %dma_wait3A_218 = arith.constant 0 : i32
    %dma_wait3A_219 = tpu.memref_slice %arg10[%dma_wait3A_214, %dma_wait3A_218] : memref<4x128xi32, #tpu.memory_space<vmem>> -> memref<1x128xi32, #tpu.memory_space<vmem>>
    %dma_wait3A_220 = tpu.memref_squeeze %dma_wait3A_219 : memref<1x128xi32, #tpu.memory_space<vmem>> -> memref<128xi32, #tpu.memory_space<vmem>>
    %dma_wait3A_221 = arith.constant 0 : i32
    %dma_wait3A_222 = arith.constant 0 : i32
    %dma_wait3A_223 = tpu.memref_slice %arg5[%dma_wait3A_221, %dma_wait3A_222] : memref<1000000x32xf32, #tpu.memory_space<hbm>> -> memref<1000000x32xf32, #tpu.memory_space<hbm>>
    tpu.wait_indirect_dma semaphore(%arg16 : memref<!tpu.dma_semaphore, #tpu.memory_space<semaphore_mem>>) src(%dma_wait3A_223 : memref<1000000x32xf32, #tpu.memory_space<hbm>>) dst(%dma_wait3A_217 : memref<128x32xf32, #tpu.memory_space<vmem>>)
    %dma_wait3A_224 = arith.constant 1 : i32
    %dma_wait3A_225 = arith.constant 128 : i32
    %dma_wait3A_226 = tpu.memref_slice %arg13[%dma_wait3A_225] : memref<512xf32, #tpu.memory_space<vmem>> -> memref<128xf32, #tpu.memory_space<vmem>>
    %dma_wait3A_227 = arith.constant 0 : i32
    %dma_wait3A_228 = tpu.memref_slice %arg9[%dma_wait3A_224, %dma_wait3A_227] : memref<4x128xi32, #tpu.memory_space<vmem>> -> memref<1x128xi32, #tpu.memory_space<vmem>>
    %dma_wait3A_229 = tpu.memref_squeeze %dma_wait3A_228 : memref<1x128xi32, #tpu.memory_space<vmem>> -> memref<128xi32, #tpu.memory_space<vmem>>
    %dma_wait3A_230 = arith.constant 0 : i32
    %dma_wait3A_231 = tpu.memref_slice %arg6[%dma_wait3A_230] : memref<1000000xf32, #tpu.memory_space<hbm>> -> memref<1000000xf32, #tpu.memory_space<hbm>>
    tpu.wait_indirect_dma semaphore(%arg16 : memref<!tpu.dma_semaphore, #tpu.memory_space<semaphore_mem>>) src(%dma_wait3A_231 : memref<1000000xf32, #tpu.memory_space<hbm>>) dst(%dma_wait3A_226 : memref<128xf32, #tpu.memory_space<vmem>>)
    %dma_wait3A_232 = arith.constant 1 : i32
    %dma_wait3A_233 = arith.constant 128 : i32
    %dma_wait3A_234 = tpu.memref_slice %arg14[%dma_wait3A_233] : memref<512xf32, #tpu.memory_space<vmem>> -> memref<128xf32, #tpu.memory_space<vmem>>
    %dma_wait3A_235 = arith.constant 0 : i32
    %dma_wait3A_236 = tpu.memref_slice %arg10[%dma_wait3A_232, %dma_wait3A_235] : memref<4x128xi32, #tpu.memory_space<vmem>> -> memref<1x128xi32, #tpu.memory_space<vmem>>
    %dma_wait3A_237 = tpu.memref_squeeze %dma_wait3A_236 : memref<1x128xi32, #tpu.memory_space<vmem>> -> memref<128xi32, #tpu.memory_space<vmem>>
    %dma_wait3A_238 = arith.constant 0 : i32
    %dma_wait3A_239 = tpu.memref_slice %arg7[%dma_wait3A_238] : memref<1000000xf32, #tpu.memory_space<hbm>> -> memref<1000000xf32, #tpu.memory_space<hbm>>
    tpu.wait_indirect_dma semaphore(%arg16 : memref<!tpu.dma_semaphore, #tpu.memory_space<semaphore_mem>>) src(%dma_wait3A_239 : memref<1000000xf32, #tpu.memory_space<hbm>>) dst(%dma_wait3A_234 : memref<128xf32, #tpu.memory_space<vmem>>)
    %dma_wait3A_240 = arith.constant 2 : i32
    %dma_wait3A_241 = arith.constant 256 : i32
    %dma_wait3A_242 = arith.constant 0 : i32
    %dma_wait3A_243 = tpu.memref_slice %arg11[%dma_wait3A_241, %dma_wait3A_242] : memref<512x32xf32, #tpu.memory_space<vmem>> -> memref<128x32xf32, #tpu.memory_space<vmem>>
    %dma_wait3A_244 = arith.constant 0 : i32
    %dma_wait3A_245 = tpu.memref_slice %arg9[%dma_wait3A_240, %dma_wait3A_244] : memref<4x128xi32, #tpu.memory_space<vmem>> -> memref<1x128xi32, #tpu.memory_space<vmem>>
    %dma_wait3A_246 = tpu.memref_squeeze %dma_wait3A_245 : memref<1x128xi32, #tpu.memory_space<vmem>> -> memref<128xi32, #tpu.memory_space<vmem>>
    %dma_wait3A_247 = arith.constant 0 : i32
    %dma_wait3A_248 = arith.constant 0 : i32
    %dma_wait3A_249 = tpu.memref_slice %arg4[%dma_wait3A_247, %dma_wait3A_248] : memref<1000000x32xf32, #tpu.memory_space<hbm>> -> memref<1000000x32xf32, #tpu.memory_space<hbm>>
    tpu.wait_indirect_dma semaphore(%arg16 : memref<!tpu.dma_semaphore, #tpu.memory_space<semaphore_mem>>) src(%dma_wait3A_249 : memref<1000000x32xf32, #tpu.memory_space<hbm>>) dst(%dma_wait3A_243 : memref<128x32xf32, #tpu.memory_space<vmem>>)
    %dma_wait3A_250 = arith.constant 2 : i32
    %dma_wait3A_251 = arith.constant 256 : i32
    %dma_wait3A_252 = arith.constant 0 : i32
    %dma_wait3A_253 = tpu.memref_slice %arg12[%dma_wait3A_251, %dma_wait3A_252] : memref<512x32xf32, #tpu.memory_space<vmem>> -> memref<128x32xf32, #tpu.memory_space<vmem>>
    %dma_wait3A_254 = arith.constant 0 : i32
    %dma_wait3A_255 = tpu.memref_slice %arg10[%dma_wait3A_250, %dma_wait3A_254] : memref<4x128xi32, #tpu.memory_space<vmem>> -> memref<1x128xi32, #tpu.memory_space<vmem>>
    %dma_wait3A_256 = tpu.memref_squeeze %dma_wait3A_255 : memref<1x128xi32, #tpu.memory_space<vmem>> -> memref<128xi32, #tpu.memory_space<vmem>>
    %dma_wait3A_257 = arith.constant 0 : i32
    %dma_wait3A_258 = arith.constant 0 : i32
    %dma_wait3A_259 = tpu.memref_slice %arg5[%dma_wait3A_257, %dma_wait3A_258] : memref<1000000x32xf32, #tpu.memory_space<hbm>> -> memref<1000000x32xf32, #tpu.memory_space<hbm>>
    tpu.wait_indirect_dma semaphore(%arg16 : memref<!tpu.dma_semaphore, #tpu.memory_space<semaphore_mem>>) src(%dma_wait3A_259 : memref<1000000x32xf32, #tpu.memory_space<hbm>>) dst(%dma_wait3A_253 : memref<128x32xf32, #tpu.memory_space<vmem>>)
    %dma_wait3A_260 = arith.constant 2 : i32
    %dma_wait3A_261 = arith.constant 256 : i32
    %dma_wait3A_262 = tpu.memref_slice %arg13[%dma_wait3A_261] : memref<512xf32, #tpu.memory_space<vmem>> -> memref<128xf32, #tpu.memory_space<vmem>>
    %dma_wait3A_263 = arith.constant 0 : i32
    %dma_wait3A_264 = tpu.memref_slice %arg9[%dma_wait3A_260, %dma_wait3A_263] : memref<4x128xi32, #tpu.memory_space<vmem>> -> memref<1x128xi32, #tpu.memory_space<vmem>>
    %dma_wait3A_265 = tpu.memref_squeeze %dma_wait3A_264 : memref<1x128xi32, #tpu.memory_space<vmem>> -> memref<128xi32, #tpu.memory_space<vmem>>
    %dma_wait3A_266 = arith.constant 0 : i32
    %dma_wait3A_267 = tpu.memref_slice %arg6[%dma_wait3A_266] : memref<1000000xf32, #tpu.memory_space<hbm>> -> memref<1000000xf32, #tpu.memory_space<hbm>>
    tpu.wait_indirect_dma semaphore(%arg16 : memref<!tpu.dma_semaphore, #tpu.memory_space<semaphore_mem>>) src(%dma_wait3A_267 : memref<1000000xf32, #tpu.memory_space<hbm>>) dst(%dma_wait3A_262 : memref<128xf32, #tpu.memory_space<vmem>>)
    %dma_wait3A_268 = arith.constant 2 : i32
    %dma_wait3A_269 = arith.constant 256 : i32
    %dma_wait3A_270 = tpu.memref_slice %arg14[%dma_wait3A_269] : memref<512xf32, #tpu.memory_space<vmem>> -> memref<128xf32, #tpu.memory_space<vmem>>
    %dma_wait3A_271 = arith.constant 0 : i32
    %dma_wait3A_272 = tpu.memref_slice %arg10[%dma_wait3A_268, %dma_wait3A_271] : memref<4x128xi32, #tpu.memory_space<vmem>> -> memref<1x128xi32, #tpu.memory_space<vmem>>
    %dma_wait3A_273 = tpu.memref_squeeze %dma_wait3A_272 : memref<1x128xi32, #tpu.memory_space<vmem>> -> memref<128xi32, #tpu.memory_space<vmem>>
    %dma_wait3A_274 = arith.constant 0 : i32
    %dma_wait3A_275 = tpu.memref_slice %arg7[%dma_wait3A_274] : memref<1000000xf32, #tpu.memory_space<hbm>> -> memref<1000000xf32, #tpu.memory_space<hbm>>
    tpu.wait_indirect_dma semaphore(%arg16 : memref<!tpu.dma_semaphore, #tpu.memory_space<semaphore_mem>>) src(%dma_wait3A_275 : memref<1000000xf32, #tpu.memory_space<hbm>>) dst(%dma_wait3A_270 : memref<128xf32, #tpu.memory_space<vmem>>)
    %dma_wait3A_276 = arith.constant 3 : i32
    %dma_wait3A_277 = arith.constant 384 : i32
    %dma_wait3A_278 = arith.constant 0 : i32
    %dma_wait3A_279 = tpu.memref_slice %arg11[%dma_wait3A_277, %dma_wait3A_278] : memref<512x32xf32, #tpu.memory_space<vmem>> -> memref<128x32xf32, #tpu.memory_space<vmem>>
    %dma_wait3A_280 = arith.constant 0 : i32
    %dma_wait3A_281 = tpu.memref_slice %arg9[%dma_wait3A_276, %dma_wait3A_280] : memref<4x128xi32, #tpu.memory_space<vmem>> -> memref<1x128xi32, #tpu.memory_space<vmem>>
    %dma_wait3A_282 = tpu.memref_squeeze %dma_wait3A_281 : memref<1x128xi32, #tpu.memory_space<vmem>> -> memref<128xi32, #tpu.memory_space<vmem>>
    %dma_wait3A_283 = arith.constant 0 : i32
    %dma_wait3A_284 = arith.constant 0 : i32
    %dma_wait3A_285 = tpu.memref_slice %arg4[%dma_wait3A_283, %dma_wait3A_284] : memref<1000000x32xf32, #tpu.memory_space<hbm>> -> memref<1000000x32xf32, #tpu.memory_space<hbm>>
    tpu.wait_indirect_dma semaphore(%arg16 : memref<!tpu.dma_semaphore, #tpu.memory_space<semaphore_mem>>) src(%dma_wait3A_285 : memref<1000000x32xf32, #tpu.memory_space<hbm>>) dst(%dma_wait3A_279 : memref<128x32xf32, #tpu.memory_space<vmem>>)
    %dma_wait3A_286 = arith.constant 3 : i32
    %dma_wait3A_287 = arith.constant 384 : i32
    %dma_wait3A_288 = arith.constant 0 : i32
    %dma_wait3A_289 = tpu.memref_slice %arg12[%dma_wait3A_287, %dma_wait3A_288] : memref<512x32xf32, #tpu.memory_space<vmem>> -> memref<128x32xf32, #tpu.memory_space<vmem>>
    %dma_wait3A_290 = arith.constant 0 : i32
    %dma_wait3A_291 = tpu.memref_slice %arg10[%dma_wait3A_286, %dma_wait3A_290] : memref<4x128xi32, #tpu.memory_space<vmem>> -> memref<1x128xi32, #tpu.memory_space<vmem>>
    %dma_wait3A_292 = tpu.memref_squeeze %dma_wait3A_291 : memref<1x128xi32, #tpu.memory_space<vmem>> -> memref<128xi32, #tpu.memory_space<vmem>>
    %dma_wait3A_293 = arith.constant 0 : i32
    %dma_wait3A_294 = arith.constant 0 : i32
    %dma_wait3A_295 = tpu.memref_slice %arg5[%dma_wait3A_293, %dma_wait3A_294] : memref<1000000x32xf32, #tpu.memory_space<hbm>> -> memref<1000000x32xf32, #tpu.memory_space<hbm>>
    tpu.wait_indirect_dma semaphore(%arg16 : memref<!tpu.dma_semaphore, #tpu.memory_space<semaphore_mem>>) src(%dma_wait3A_295 : memref<1000000x32xf32, #tpu.memory_space<hbm>>) dst(%dma_wait3A_289 : memref<128x32xf32, #tpu.memory_space<vmem>>)
    %dma_wait3A_296 = arith.constant 3 : i32
    %dma_wait3A_297 = arith.constant 384 : i32
    %dma_wait3A_298 = tpu.memref_slice %arg13[%dma_wait3A_297] : memref<512xf32, #tpu.memory_space<vmem>> -> memref<128xf32, #tpu.memory_space<vmem>>
    %dma_wait3A_299 = arith.constant 0 : i32
    %dma_wait3A_300 = tpu.memref_slice %arg9[%dma_wait3A_296, %dma_wait3A_299] : memref<4x128xi32, #tpu.memory_space<vmem>> -> memref<1x128xi32, #tpu.memory_space<vmem>>
    %dma_wait3A_301 = tpu.memref_squeeze %dma_wait3A_300 : memref<1x128xi32, #tpu.memory_space<vmem>> -> memref<128xi32, #tpu.memory_space<vmem>>
    %dma_wait3A_302 = arith.constant 0 : i32
    %dma_wait3A_303 = tpu.memref_slice %arg6[%dma_wait3A_302] : memref<1000000xf32, #tpu.memory_space<hbm>> -> memref<1000000xf32, #tpu.memory_space<hbm>>
    tpu.wait_indirect_dma semaphore(%arg16 : memref<!tpu.dma_semaphore, #tpu.memory_space<semaphore_mem>>) src(%dma_wait3A_303 : memref<1000000xf32, #tpu.memory_space<hbm>>) dst(%dma_wait3A_298 : memref<128xf32, #tpu.memory_space<vmem>>)
    %dma_wait3A_304 = arith.constant 3 : i32
    %dma_wait3A_305 = arith.constant 384 : i32
    %dma_wait3A_306 = tpu.memref_slice %arg14[%dma_wait3A_305] : memref<512xf32, #tpu.memory_space<vmem>> -> memref<128xf32, #tpu.memory_space<vmem>>
    %dma_wait3A_307 = arith.constant 0 : i32
    %dma_wait3A_308 = tpu.memref_slice %arg10[%dma_wait3A_304, %dma_wait3A_307] : memref<4x128xi32, #tpu.memory_space<vmem>> -> memref<1x128xi32, #tpu.memory_space<vmem>>
    %dma_wait3A_309 = tpu.memref_squeeze %dma_wait3A_308 : memref<1x128xi32, #tpu.memory_space<vmem>> -> memref<128xi32, #tpu.memory_space<vmem>>
    %dma_wait3A_310 = arith.constant 0 : i32
    %dma_wait3A_311 = tpu.memref_slice %arg7[%dma_wait3A_310] : memref<1000000xf32, #tpu.memory_space<hbm>> -> memref<1000000xf32, #tpu.memory_space<hbm>>
    tpu.wait_indirect_dma semaphore(%arg16 : memref<!tpu.dma_semaphore, #tpu.memory_space<semaphore_mem>>) src(%dma_wait3A_311 : memref<1000000xf32, #tpu.memory_space<hbm>>) dst(%dma_wait3A_306 : memref<128xf32, #tpu.memory_space<vmem>>)
    %iota3A = tpu.iota {dimensions = array<i32: 0>} : vector<16xi32>
    %scan3A = arith.constant 0 : i32
    %scan3A_312 = arith.constant 0 : i32
    %scan3A_313 = arith.constant 32 : i32
    %scan3A_314 = arith.addi %scan3A_312, %scan3A_313 : i32
    %scan3A_315 = arith.constant 1 : i32
    scf.for %scan3A_317 = %scan3A_312 to %scan3A_314 step %scan3A_315  : i32 {
      %mul3A_318 = arith.constant 16 : i32
      %mul3A_319 = arith.muli %scan3A_317, %mul3A_318 : i32
      %add3A_320 = arith.constant 0 : i32
      %add3A_321 = arith.addi %mul3A_319, %add3A_320 : i32
      %get3A = arith.index_cast %add3A_321 : i32 to index
      %get3A_322 = arith.constant 0 : index
      %get3A_323 = tpu.vector_load %arg11[%get3A, %get3A_322] {strides = array<i32>} : memref<512x32xf32, #tpu.memory_space<vmem>>, vector<1x16xf32>,
      %get3A_324 = vector.shape_cast %get3A_323 : vector<1x16xf32> to vector<16xf32>
      %add3A_325 = arith.constant 0 : i32
      %add3A_326 = arith.addi %mul3A_319, %add3A_325 : i32
      %get3A_327 = arith.index_cast %add3A_326 : i32 to index
      %get3A_328 = arith.constant 16 : index
      %get3A_329 = tpu.vector_load %arg11[%get3A_327, %get3A_328] {strides = array<i32>} : memref<512x32xf32, #tpu.memory_space<vmem>>, vector<1x16xf32>,
      %get3A_330 = vector.shape_cast %get3A_329 : vector<1x16xf32> to vector<16xf32>
      %add3A_331 = arith.constant 0 : i32
      %add3A_332 = arith.addi %mul3A_319, %add3A_331 : i32
      %get3A_333 = arith.index_cast %add3A_332 : i32 to index
      %get3A_334 = arith.constant 0 : index
      %get3A_335 = tpu.vector_load %arg12[%get3A_333, %get3A_334] {strides = array<i32>} : memref<512x32xf32, #tpu.memory_space<vmem>>, vector<1x16xf32>,
      %get3A_336 = vector.shape_cast %get3A_335 : vector<1x16xf32> to vector<16xf32>
      %add3A_337 = arith.constant 0 : i32
      %add3A_338 = arith.addi %mul3A_319, %add3A_337 : i32
      %get3A_339 = arith.index_cast %add3A_338 : i32 to index
      %get3A_340 = arith.constant 16 : index
      %get3A_341 = tpu.vector_load %arg12[%get3A_339, %get3A_340] {strides = array<i32>} : memref<512x32xf32, #tpu.memory_space<vmem>>, vector<1x16xf32>,
      %get3A_342 = vector.shape_cast %get3A_341 : vector<1x16xf32> to vector<16xf32>
      %mul3A_343 = arith.mulf %get3A_324, %get3A_336 : vector<16xf32>
      %mul3A_344 = arith.mulf %get3A_330, %get3A_342 : vector<16xf32>
      %add3A_345 = arith.addf %mul3A_343, %mul3A_344 : vector<16xf32>
      %add3A_346 = arith.constant 1 : i32
      %add3A_347 = arith.addi %mul3A_319, %add3A_346 : i32
      %get3A_348 = arith.index_cast %add3A_347 : i32 to index
      %get3A_349 = arith.constant 0 : index
      %get3A_350 = tpu.vector_load %arg11[%get3A_348, %get3A_349] {strides = array<i32>} : memref<512x32xf32, #tpu.memory_space<vmem>>, vector<1x16xf32>,
      %get3A_351 = vector.shape_cast %get3A_350 : vector<1x16xf32> to vector<16xf32>
      %add3A_352 = arith.constant 1 : i32
      %add3A_353 = arith.addi %mul3A_319, %add3A_352 : i32
      %get3A_354 = arith.index_cast %add3A_353 : i32 to index
      %get3A_355 = arith.constant 16 : index
      %get3A_356 = tpu.vector_load %arg11[%get3A_354, %get3A_355] {strides = array<i32>} : memref<512x32xf32, #tpu.memory_space<vmem>>, vector<1x16xf32>,
      %get3A_357 = vector.shape_cast %get3A_356 : vector<1x16xf32> to vector<16xf32>
      %add3A_358 = arith.constant 1 : i32
      %add3A_359 = arith.addi %mul3A_319, %add3A_358 : i32
      %get3A_360 = arith.index_cast %add3A_359 : i32 to index
      %get3A_361 = arith.constant 0 : index
      %get3A_362 = tpu.vector_load %arg12[%get3A_360, %get3A_361] {strides = array<i32>} : memref<512x32xf32, #tpu.memory_space<vmem>>, vector<1x16xf32>,
      %get3A_363 = vector.shape_cast %get3A_362 : vector<1x16xf32> to vector<16xf32>
      %add3A_364 = arith.constant 1 : i32
      %add3A_365 = arith.addi %mul3A_319, %add3A_364 : i32
      %get3A_366 = arith.index_cast %add3A_365 : i32 to index
      %get3A_367 = arith.constant 16 : index
      %get3A_368 = tpu.vector_load %arg12[%get3A_366, %get3A_367] {strides = array<i32>} : memref<512x32xf32, #tpu.memory_space<vmem>>, vector<1x16xf32>,
      %get3A_369 = vector.shape_cast %get3A_368 : vector<1x16xf32> to vector<16xf32>
      %mul3A_370 = arith.mulf %get3A_351, %get3A_363 : vector<16xf32>
      %mul3A_371 = arith.mulf %get3A_357, %get3A_369 : vector<16xf32>
      %add3A_372 = arith.addf %mul3A_370, %mul3A_371 : vector<16xf32>
      %add3A_373 = arith.constant 2 : i32
      %add3A_374 = arith.addi %mul3A_319, %add3A_373 : i32
      %get3A_375 = arith.index_cast %add3A_374 : i32 to index
      %get3A_376 = arith.constant 0 : index
      %get3A_377 = tpu.vector_load %arg11[%get3A_375, %get3A_376] {strides = array<i32>} : memref<512x32xf32, #tpu.memory_space<vmem>>, vector<1x16xf32>,
      %get3A_378 = vector.shape_cast %get3A_377 : vector<1x16xf32> to vector<16xf32>
      %add3A_379 = arith.constant 2 : i32
      %add3A_380 = arith.addi %mul3A_319, %add3A_379 : i32
      %get3A_381 = arith.index_cast %add3A_380 : i32 to index
      %get3A_382 = arith.constant 16 : index
      %get3A_383 = tpu.vector_load %arg11[%get3A_381, %get3A_382] {strides = array<i32>} : memref<512x32xf32, #tpu.memory_space<vmem>>, vector<1x16xf32>,
      %get3A_384 = vector.shape_cast %get3A_383 : vector<1x16xf32> to vector<16xf32>
      %add3A_385 = arith.constant 2 : i32
      %add3A_386 = arith.addi %mul3A_319, %add3A_385 : i32
      %get3A_387 = arith.index_cast %add3A_386 : i32 to index
      %get3A_388 = arith.constant 0 : index
      %get3A_389 = tpu.vector_load %arg12[%get3A_387, %get3A_388] {strides = array<i32>} : memref<512x32xf32, #tpu.memory_space<vmem>>, vector<1x16xf32>,
      %get3A_390 = vector.shape_cast %get3A_389 : vector<1x16xf32> to vector<16xf32>
      %add3A_391 = arith.constant 2 : i32
      %add3A_392 = arith.addi %mul3A_319, %add3A_391 : i32
      %get3A_393 = arith.index_cast %add3A_392 : i32 to index
      %get3A_394 = arith.constant 16 : index
      %get3A_395 = tpu.vector_load %arg12[%get3A_393, %get3A_394] {strides = array<i32>} : memref<512x32xf32, #tpu.memory_space<vmem>>, vector<1x16xf32>,
      %get3A_396 = vector.shape_cast %get3A_395 : vector<1x16xf32> to vector<16xf32>
      %mul3A_397 = arith.mulf %get3A_378, %get3A_390 : vector<16xf32>
      %mul3A_398 = arith.mulf %get3A_384, %get3A_396 : vector<16xf32>
      %add3A_399 = arith.addf %mul3A_397, %mul3A_398 : vector<16xf32>
      %add3A_400 = arith.constant 3 : i32
      %add3A_401 = arith.addi %mul3A_319, %add3A_400 : i32
      %get3A_402 = arith.index_cast %add3A_401 : i32 to index
      %get3A_403 = arith.constant 0 : index
      %get3A_404 = tpu.vector_load %arg11[%get3A_402, %get3A_403] {strides = array<i32>} : memref<512x32xf32, #tpu.memory_space<vmem>>, vector<1x16xf32>,
      %get3A_405 = vector.shape_cast %get3A_404 : vector<1x16xf32> to vector<16xf32>
      %add3A_406 = arith.constant 3 : i32
      %add3A_407 = arith.addi %mul3A_319, %add3A_406 : i32
      %get3A_408 = arith.index_cast %add3A_407 : i32 to index
      %get3A_409 = arith.constant 16 : index
      %get3A_410 = tpu.vector_load %arg11[%get3A_408, %get3A_409] {strides = array<i32>} : memref<512x32xf32, #tpu.memory_space<vmem>>, vector<1x16xf32>,
      %get3A_411 = vector.shape_cast %get3A_410 : vector<1x16xf32> to vector<16xf32>
      %add3A_412 = arith.constant 3 : i32
      %add3A_413 = arith.addi %mul3A_319, %add3A_412 : i32
      %get3A_414 = arith.index_cast %add3A_413 : i32 to index
      %get3A_415 = arith.constant 0 : index
      %get3A_416 = tpu.vector_load %arg12[%get3A_414, %get3A_415] {strides = array<i32>} : memref<512x32xf32, #tpu.memory_space<vmem>>, vector<1x16xf32>,
      %get3A_417 = vector.shape_cast %get3A_416 : vector<1x16xf32> to vector<16xf32>
      %add3A_418 = arith.constant 3 : i32
      %add3A_419 = arith.addi %mul3A_319, %add3A_418 : i32
      %get3A_420 = arith.index_cast %add3A_419 : i32 to index
      %get3A_421 = arith.constant 16 : index
      %get3A_422 = tpu.vector_load %arg12[%get3A_420, %get3A_421] {strides = array<i32>} : memref<512x32xf32, #tpu.memory_space<vmem>>, vector<1x16xf32>,
      %get3A_423 = vector.shape_cast %get3A_422 : vector<1x16xf32> to vector<16xf32>
      %mul3A_424 = arith.mulf %get3A_405, %get3A_417 : vector<16xf32>
      %mul3A_425 = arith.mulf %get3A_411, %get3A_423 : vector<16xf32>
      %add3A_426 = arith.addf %mul3A_424, %mul3A_425 : vector<16xf32>
      %add3A_427 = arith.constant 4 : i32
      %add3A_428 = arith.addi %mul3A_319, %add3A_427 : i32
      %get3A_429 = arith.index_cast %add3A_428 : i32 to index
      %get3A_430 = arith.constant 0 : index
      %get3A_431 = tpu.vector_load %arg11[%get3A_429, %get3A_430] {strides = array<i32>} : memref<512x32xf32, #tpu.memory_space<vmem>>, vector<1x16xf32>,
      %get3A_432 = vector.shape_cast %get3A_431 : vector<1x16xf32> to vector<16xf32>
      %add3A_433 = arith.constant 4 : i32
      %add3A_434 = arith.addi %mul3A_319, %add3A_433 : i32
      %get3A_435 = arith.index_cast %add3A_434 : i32 to index
      %get3A_436 = arith.constant 16 : index
      %get3A_437 = tpu.vector_load %arg11[%get3A_435, %get3A_436] {strides = array<i32>} : memref<512x32xf32, #tpu.memory_space<vmem>>, vector<1x16xf32>,
      %get3A_438 = vector.shape_cast %get3A_437 : vector<1x16xf32> to vector<16xf32>
      %add3A_439 = arith.constant 4 : i32
      %add3A_440 = arith.addi %mul3A_319, %add3A_439 : i32
      %get3A_441 = arith.index_cast %add3A_440 : i32 to index
      %get3A_442 = arith.constant 0 : index
      %get3A_443 = tpu.vector_load %arg12[%get3A_441, %get3A_442] {strides = array<i32>} : memref<512x32xf32, #tpu.memory_space<vmem>>, vector<1x16xf32>,
      %get3A_444 = vector.shape_cast %get3A_443 : vector<1x16xf32> to vector<16xf32>
      %add3A_445 = arith.constant 4 : i32
      %add3A_446 = arith.addi %mul3A_319, %add3A_445 : i32
      %get3A_447 = arith.index_cast %add3A_446 : i32 to index
      %get3A_448 = arith.constant 16 : index
      %get3A_449 = tpu.vector_load %arg12[%get3A_447, %get3A_448] {strides = array<i32>} : memref<512x32xf32, #tpu.memory_space<vmem>>, vector<1x16xf32>,
      %get3A_450 = vector.shape_cast %get3A_449 : vector<1x16xf32> to vector<16xf32>
      %mul3A_451 = arith.mulf %get3A_432, %get3A_444 : vector<16xf32>
      %mul3A_452 = arith.mulf %get3A_438, %get3A_450 : vector<16xf32>
      %add3A_453 = arith.addf %mul3A_451, %mul3A_452 : vector<16xf32>
      %add3A_454 = arith.constant 5 : i32
      %add3A_455 = arith.addi %mul3A_319, %add3A_454 : i32
      %get3A_456 = arith.index_cast %add3A_455 : i32 to index
      %get3A_457 = arith.constant 0 : index
      %get3A_458 = tpu.vector_load %arg11[%get3A_456, %get3A_457] {strides = array<i32>} : memref<512x32xf32, #tpu.memory_space<vmem>>, vector<1x16xf32>,
      %get3A_459 = vector.shape_cast %get3A_458 : vector<1x16xf32> to vector<16xf32>
      %add3A_460 = arith.constant 5 : i32
      %add3A_461 = arith.addi %mul3A_319, %add3A_460 : i32
      %get3A_462 = arith.index_cast %add3A_461 : i32 to index
      %get3A_463 = arith.constant 16 : index
      %get3A_464 = tpu.vector_load %arg11[%get3A_462, %get3A_463] {strides = array<i32>} : memref<512x32xf32, #tpu.memory_space<vmem>>, vector<1x16xf32>,
      %get3A_465 = vector.shape_cast %get3A_464 : vector<1x16xf32> to vector<16xf32>
      %add3A_466 = arith.constant 5 : i32
      %add3A_467 = arith.addi %mul3A_319, %add3A_466 : i32
      %get3A_468 = arith.index_cast %add3A_467 : i32 to index
      %get3A_469 = arith.constant 0 : index
      %get3A_470 = tpu.vector_load %arg12[%get3A_468, %get3A_469] {strides = array<i32>} : memref<512x32xf32, #tpu.memory_space<vmem>>, vector<1x16xf32>,
      %get3A_471 = vector.shape_cast %get3A_470 : vector<1x16xf32> to vector<16xf32>
      %add3A_472 = arith.constant 5 : i32
      %add3A_473 = arith.addi %mul3A_319, %add3A_472 : i32
      %get3A_474 = arith.index_cast %add3A_473 : i32 to index
      %get3A_475 = arith.constant 16 : index
      %get3A_476 = tpu.vector_load %arg12[%get3A_474, %get3A_475] {strides = array<i32>} : memref<512x32xf32, #tpu.memory_space<vmem>>, vector<1x16xf32>,
      %get3A_477 = vector.shape_cast %get3A_476 : vector<1x16xf32> to vector<16xf32>
      %mul3A_478 = arith.mulf %get3A_459, %get3A_471 : vector<16xf32>
      %mul3A_479 = arith.mulf %get3A_465, %get3A_477 : vector<16xf32>
      %add3A_480 = arith.addf %mul3A_478, %mul3A_479 : vector<16xf32>
      %add3A_481 = arith.constant 6 : i32
      %add3A_482 = arith.addi %mul3A_319, %add3A_481 : i32
      %get3A_483 = arith.index_cast %add3A_482 : i32 to index
      %get3A_484 = arith.constant 0 : index
      %get3A_485 = tpu.vector_load %arg11[%get3A_483, %get3A_484] {strides = array<i32>} : memref<512x32xf32, #tpu.memory_space<vmem>>, vector<1x16xf32>,
      %get3A_486 = vector.shape_cast %get3A_485 : vector<1x16xf32> to vector<16xf32>
      %add3A_487 = arith.constant 6 : i32
      %add3A_488 = arith.addi %mul3A_319, %add3A_487 : i32
      %get3A_489 = arith.index_cast %add3A_488 : i32 to index
      %get3A_490 = arith.constant 16 : index
      %get3A_491 = tpu.vector_load %arg11[%get3A_489, %get3A_490] {strides = array<i32>} : memref<512x32xf32, #tpu.memory_space<vmem>>, vector<1x16xf32>,
      %get3A_492 = vector.shape_cast %get3A_491 : vector<1x16xf32> to vector<16xf32>
      %add3A_493 = arith.constant 6 : i32
      %add3A_494 = arith.addi %mul3A_319, %add3A_493 : i32
      %get3A_495 = arith.index_cast %add3A_494 : i32 to index
      %get3A_496 = arith.constant 0 : index
      %get3A_497 = tpu.vector_load %arg12[%get3A_495, %get3A_496] {strides = array<i32>} : memref<512x32xf32, #tpu.memory_space<vmem>>, vector<1x16xf32>,
      %get3A_498 = vector.shape_cast %get3A_497 : vector<1x16xf32> to vector<16xf32>
      %add3A_499 = arith.constant 6 : i32
      %add3A_500 = arith.addi %mul3A_319, %add3A_499 : i32
      %get3A_501 = arith.index_cast %add3A_500 : i32 to index
      %get3A_502 = arith.constant 16 : index
      %get3A_503 = tpu.vector_load %arg12[%get3A_501, %get3A_502] {strides = array<i32>} : memref<512x32xf32, #tpu.memory_space<vmem>>, vector<1x16xf32>,
      %get3A_504 = vector.shape_cast %get3A_503 : vector<1x16xf32> to vector<16xf32>
      %mul3A_505 = arith.mulf %get3A_486, %get3A_498 : vector<16xf32>
      %mul3A_506 = arith.mulf %get3A_492, %get3A_504 : vector<16xf32>
      %add3A_507 = arith.addf %mul3A_505, %mul3A_506 : vector<16xf32>
      %add3A_508 = arith.constant 7 : i32
      %add3A_509 = arith.addi %mul3A_319, %add3A_508 : i32
      %get3A_510 = arith.index_cast %add3A_509 : i32 to index
      %get3A_511 = arith.constant 0 : index
      %get3A_512 = tpu.vector_load %arg11[%get3A_510, %get3A_511] {strides = array<i32>} : memref<512x32xf32, #tpu.memory_space<vmem>>, vector<1x16xf32>,
      %get3A_513 = vector.shape_cast %get3A_512 : vector<1x16xf32> to vector<16xf32>
      %add3A_514 = arith.constant 7 : i32
      %add3A_515 = arith.addi %mul3A_319, %add3A_514 : i32
      %get3A_516 = arith.index_cast %add3A_515 : i32 to index
      %get3A_517 = arith.constant 16 : index
      %get3A_518 = tpu.vector_load %arg11[%get3A_516, %get3A_517] {strides = array<i32>} : memref<512x32xf32, #tpu.memory_space<vmem>>, vector<1x16xf32>,
      %get3A_519 = vector.shape_cast %get3A_518 : vector<1x16xf32> to vector<16xf32>
      %add3A_520 = arith.constant 7 : i32
      %add3A_521 = arith.addi %mul3A_319, %add3A_520 : i32
      %get3A_522 = arith.index_cast %add3A_521 : i32 to index
      %get3A_523 = arith.constant 0 : index
      %get3A_524 = tpu.vector_load %arg12[%get3A_522, %get3A_523] {strides = array<i32>} : memref<512x32xf32, #tpu.memory_space<vmem>>, vector<1x16xf32>,
      %get3A_525 = vector.shape_cast %get3A_524 : vector<1x16xf32> to vector<16xf32>
      %add3A_526 = arith.constant 7 : i32
      %add3A_527 = arith.addi %mul3A_319, %add3A_526 : i32
      %get3A_528 = arith.index_cast %add3A_527 : i32 to index
      %get3A_529 = arith.constant 16 : index
      %get3A_530 = tpu.vector_load %arg12[%get3A_528, %get3A_529] {strides = array<i32>} : memref<512x32xf32, #tpu.memory_space<vmem>>, vector<1x16xf32>,
      %get3A_531 = vector.shape_cast %get3A_530 : vector<1x16xf32> to vector<16xf32>
      %mul3A_532 = arith.mulf %get3A_513, %get3A_525 : vector<16xf32>
      %mul3A_533 = arith.mulf %get3A_519, %get3A_531 : vector<16xf32>
      %add3A_534 = arith.addf %mul3A_532, %mul3A_533 : vector<16xf32>
      %add3A_535 = arith.constant 8 : i32
      %add3A_536 = arith.addi %mul3A_319, %add3A_535 : i32
      %get3A_537 = arith.index_cast %add3A_536 : i32 to index
      %get3A_538 = arith.constant 0 : index
      %get3A_539 = tpu.vector_load %arg11[%get3A_537, %get3A_538] {strides = array<i32>} : memref<512x32xf32, #tpu.memory_space<vmem>>, vector<1x16xf32>,
      %get3A_540 = vector.shape_cast %get3A_539 : vector<1x16xf32> to vector<16xf32>
      %add3A_541 = arith.constant 8 : i32
      %add3A_542 = arith.addi %mul3A_319, %add3A_541 : i32
      %get3A_543 = arith.index_cast %add3A_542 : i32 to index
      %get3A_544 = arith.constant 16 : index
      %get3A_545 = tpu.vector_load %arg11[%get3A_543, %get3A_544] {strides = array<i32>} : memref<512x32xf32, #tpu.memory_space<vmem>>, vector<1x16xf32>,
      %get3A_546 = vector.shape_cast %get3A_545 : vector<1x16xf32> to vector<16xf32>
      %add3A_547 = arith.constant 8 : i32
      %add3A_548 = arith.addi %mul3A_319, %add3A_547 : i32
      %get3A_549 = arith.index_cast %add3A_548 : i32 to index
      %get3A_550 = arith.constant 0 : index
      %get3A_551 = tpu.vector_load %arg12[%get3A_549, %get3A_550] {strides = array<i32>} : memref<512x32xf32, #tpu.memory_space<vmem>>, vector<1x16xf32>,
      %get3A_552 = vector.shape_cast %get3A_551 : vector<1x16xf32> to vector<16xf32>
      %add3A_553 = arith.constant 8 : i32
      %add3A_554 = arith.addi %mul3A_319, %add3A_553 : i32
      %get3A_555 = arith.index_cast %add3A_554 : i32 to index
      %get3A_556 = arith.constant 16 : index
      %get3A_557 = tpu.vector_load %arg12[%get3A_555, %get3A_556] {strides = array<i32>} : memref<512x32xf32, #tpu.memory_space<vmem>>, vector<1x16xf32>,
      %get3A_558 = vector.shape_cast %get3A_557 : vector<1x16xf32> to vector<16xf32>
      %mul3A_559 = arith.mulf %get3A_540, %get3A_552 : vector<16xf32>
      %mul3A_560 = arith.mulf %get3A_546, %get3A_558 : vector<16xf32>
      %add3A_561 = arith.addf %mul3A_559, %mul3A_560 : vector<16xf32>
      %add3A_562 = arith.constant 9 : i32
      %add3A_563 = arith.addi %mul3A_319, %add3A_562 : i32
      %get3A_564 = arith.index_cast %add3A_563 : i32 to index
      %get3A_565 = arith.constant 0 : index
      %get3A_566 = tpu.vector_load %arg11[%get3A_564, %get3A_565] {strides = array<i32>} : memref<512x32xf32, #tpu.memory_space<vmem>>, vector<1x16xf32>,
      %get3A_567 = vector.shape_cast %get3A_566 : vector<1x16xf32> to vector<16xf32>
      %add3A_568 = arith.constant 9 : i32
      %add3A_569 = arith.addi %mul3A_319, %add3A_568 : i32
      %get3A_570 = arith.index_cast %add3A_569 : i32 to index
      %get3A_571 = arith.constant 16 : index
      %get3A_572 = tpu.vector_load %arg11[%get3A_570, %get3A_571] {strides = array<i32>} : memref<512x32xf32, #tpu.memory_space<vmem>>, vector<1x16xf32>,
      %get3A_573 = vector.shape_cast %get3A_572 : vector<1x16xf32> to vector<16xf32>
      %add3A_574 = arith.constant 9 : i32
      %add3A_575 = arith.addi %mul3A_319, %add3A_574 : i32
      %get3A_576 = arith.index_cast %add3A_575 : i32 to index
      %get3A_577 = arith.constant 0 : index
      %get3A_578 = tpu.vector_load %arg12[%get3A_576, %get3A_577] {strides = array<i32>} : memref<512x32xf32, #tpu.memory_space<vmem>>, vector<1x16xf32>,
      %get3A_579 = vector.shape_cast %get3A_578 : vector<1x16xf32> to vector<16xf32>
      %add3A_580 = arith.constant 9 : i32
      %add3A_581 = arith.addi %mul3A_319, %add3A_580 : i32
      %get3A_582 = arith.index_cast %add3A_581 : i32 to index
      %get3A_583 = arith.constant 16 : index
      %get3A_584 = tpu.vector_load %arg12[%get3A_582, %get3A_583] {strides = array<i32>} : memref<512x32xf32, #tpu.memory_space<vmem>>, vector<1x16xf32>,
      %get3A_585 = vector.shape_cast %get3A_584 : vector<1x16xf32> to vector<16xf32>
      %mul3A_586 = arith.mulf %get3A_567, %get3A_579 : vector<16xf32>
      %mul3A_587 = arith.mulf %get3A_573, %get3A_585 : vector<16xf32>
      %add3A_588 = arith.addf %mul3A_586, %mul3A_587 : vector<16xf32>
      %add3A_589 = arith.constant 10 : i32
      %add3A_590 = arith.addi %mul3A_319, %add3A_589 : i32
      %get3A_591 = arith.index_cast %add3A_590 : i32 to index
      %get3A_592 = arith.constant 0 : index
      %get3A_593 = tpu.vector_load %arg11[%get3A_591, %get3A_592] {strides = array<i32>} : memref<512x32xf32, #tpu.memory_space<vmem>>, vector<1x16xf32>,
      %get3A_594 = vector.shape_cast %get3A_593 : vector<1x16xf32> to vector<16xf32>
      %add3A_595 = arith.constant 10 : i32
      %add3A_596 = arith.addi %mul3A_319, %add3A_595 : i32
      %get3A_597 = arith.index_cast %add3A_596 : i32 to index
      %get3A_598 = arith.constant 16 : index
      %get3A_599 = tpu.vector_load %arg11[%get3A_597, %get3A_598] {strides = array<i32>} : memref<512x32xf32, #tpu.memory_space<vmem>>, vector<1x16xf32>,
      %get3A_600 = vector.shape_cast %get3A_599 : vector<1x16xf32> to vector<16xf32>
      %add3A_601 = arith.constant 10 : i32
      %add3A_602 = arith.addi %mul3A_319, %add3A_601 : i32
      %get3A_603 = arith.index_cast %add3A_602 : i32 to index
      %get3A_604 = arith.constant 0 : index
      %get3A_605 = tpu.vector_load %arg12[%get3A_603, %get3A_604] {strides = array<i32>} : memref<512x32xf32, #tpu.memory_space<vmem>>, vector<1x16xf32>,
      %get3A_606 = vector.shape_cast %get3A_605 : vector<1x16xf32> to vector<16xf32>
      %add3A_607 = arith.constant 10 : i32
      %add3A_608 = arith.addi %mul3A_319, %add3A_607 : i32
      %get3A_609 = arith.index_cast %add3A_608 : i32 to index
      %get3A_610 = arith.constant 16 : index
      %get3A_611 = tpu.vector_load %arg12[%get3A_609, %get3A_610] {strides = array<i32>} : memref<512x32xf32, #tpu.memory_space<vmem>>, vector<1x16xf32>,
      %get3A_612 = vector.shape_cast %get3A_611 : vector<1x16xf32> to vector<16xf32>
      %mul3A_613 = arith.mulf %get3A_594, %get3A_606 : vector<16xf32>
      %mul3A_614 = arith.mulf %get3A_600, %get3A_612 : vector<16xf32>
      %add3A_615 = arith.addf %mul3A_613, %mul3A_614 : vector<16xf32>
      %add3A_616 = arith.constant 11 : i32
      %add3A_617 = arith.addi %mul3A_319, %add3A_616 : i32
      %get3A_618 = arith.index_cast %add3A_617 : i32 to index
      %get3A_619 = arith.constant 0 : index
      %get3A_620 = tpu.vector_load %arg11[%get3A_618, %get3A_619] {strides = array<i32>} : memref<512x32xf32, #tpu.memory_space<vmem>>, vector<1x16xf32>,
      %get3A_621 = vector.shape_cast %get3A_620 : vector<1x16xf32> to vector<16xf32>
      %add3A_622 = arith.constant 11 : i32
      %add3A_623 = arith.addi %mul3A_319, %add3A_622 : i32
      %get3A_624 = arith.index_cast %add3A_623 : i32 to index
      %get3A_625 = arith.constant 16 : index
      %get3A_626 = tpu.vector_load %arg11[%get3A_624, %get3A_625] {strides = array<i32>} : memref<512x32xf32, #tpu.memory_space<vmem>>, vector<1x16xf32>,
      %get3A_627 = vector.shape_cast %get3A_626 : vector<1x16xf32> to vector<16xf32>
      %add3A_628 = arith.constant 11 : i32
      %add3A_629 = arith.addi %mul3A_319, %add3A_628 : i32
      %get3A_630 = arith.index_cast %add3A_629 : i32 to index
      %get3A_631 = arith.constant 0 : index
      %get3A_632 = tpu.vector_load %arg12[%get3A_630, %get3A_631] {strides = array<i32>} : memref<512x32xf32, #tpu.memory_space<vmem>>, vector<1x16xf32>,
      %get3A_633 = vector.shape_cast %get3A_632 : vector<1x16xf32> to vector<16xf32>
      %add3A_634 = arith.constant 11 : i32
      %add3A_635 = arith.addi %mul3A_319, %add3A_634 : i32
      %get3A_636 = arith.index_cast %add3A_635 : i32 to index
      %get3A_637 = arith.constant 16 : index
      %get3A_638 = tpu.vector_load %arg12[%get3A_636, %get3A_637] {strides = array<i32>} : memref<512x32xf32, #tpu.memory_space<vmem>>, vector<1x16xf32>,
      %get3A_639 = vector.shape_cast %get3A_638 : vector<1x16xf32> to vector<16xf32>
      %mul3A_640 = arith.mulf %get3A_621, %get3A_633 : vector<16xf32>
      %mul3A_641 = arith.mulf %get3A_627, %get3A_639 : vector<16xf32>
      %add3A_642 = arith.addf %mul3A_640, %mul3A_641 : vector<16xf32>
      %add3A_643 = arith.constant 12 : i32
      %add3A_644 = arith.addi %mul3A_319, %add3A_643 : i32
      %get3A_645 = arith.index_cast %add3A_644 : i32 to index
      %get3A_646 = arith.constant 0 : index
      %get3A_647 = tpu.vector_load %arg11[%get3A_645, %get3A_646] {strides = array<i32>} : memref<512x32xf32, #tpu.memory_space<vmem>>, vector<1x16xf32>,
      %get3A_648 = vector.shape_cast %get3A_647 : vector<1x16xf32> to vector<16xf32>
      %add3A_649 = arith.constant 12 : i32
      %add3A_650 = arith.addi %mul3A_319, %add3A_649 : i32
      %get3A_651 = arith.index_cast %add3A_650 : i32 to index
      %get3A_652 = arith.constant 16 : index
      %get3A_653 = tpu.vector_load %arg11[%get3A_651, %get3A_652] {strides = array<i32>} : memref<512x32xf32, #tpu.memory_space<vmem>>, vector<1x16xf32>,
      %get3A_654 = vector.shape_cast %get3A_653 : vector<1x16xf32> to vector<16xf32>
      %add3A_655 = arith.constant 12 : i32
      %add3A_656 = arith.addi %mul3A_319, %add3A_655 : i32
      %get3A_657 = arith.index_cast %add3A_656 : i32 to index
      %get3A_658 = arith.constant 0 : index
      %get3A_659 = tpu.vector_load %arg12[%get3A_657, %get3A_658] {strides = array<i32>} : memref<512x32xf32, #tpu.memory_space<vmem>>, vector<1x16xf32>,
      %get3A_660 = vector.shape_cast %get3A_659 : vector<1x16xf32> to vector<16xf32>
      %add3A_661 = arith.constant 12 : i32
      %add3A_662 = arith.addi %mul3A_319, %add3A_661 : i32
      %get3A_663 = arith.index_cast %add3A_662 : i32 to index
      %get3A_664 = arith.constant 16 : index
      %get3A_665 = tpu.vector_load %arg12[%get3A_663, %get3A_664] {strides = array<i32>} : memref<512x32xf32, #tpu.memory_space<vmem>>, vector<1x16xf32>,
      %get3A_666 = vector.shape_cast %get3A_665 : vector<1x16xf32> to vector<16xf32>
      %mul3A_667 = arith.mulf %get3A_648, %get3A_660 : vector<16xf32>
      %mul3A_668 = arith.mulf %get3A_654, %get3A_666 : vector<16xf32>
      %add3A_669 = arith.addf %mul3A_667, %mul3A_668 : vector<16xf32>
      %add3A_670 = arith.constant 13 : i32
      %add3A_671 = arith.addi %mul3A_319, %add3A_670 : i32
      %get3A_672 = arith.index_cast %add3A_671 : i32 to index
      %get3A_673 = arith.constant 0 : index
      %get3A_674 = tpu.vector_load %arg11[%get3A_672, %get3A_673] {strides = array<i32>} : memref<512x32xf32, #tpu.memory_space<vmem>>, vector<1x16xf32>,
      %get3A_675 = vector.shape_cast %get3A_674 : vector<1x16xf32> to vector<16xf32>
      %add3A_676 = arith.constant 13 : i32
      %add3A_677 = arith.addi %mul3A_319, %add3A_676 : i32
      %get3A_678 = arith.index_cast %add3A_677 : i32 to index
      %get3A_679 = arith.constant 16 : index
      %get3A_680 = tpu.vector_load %arg11[%get3A_678, %get3A_679] {strides = array<i32>} : memref<512x32xf32, #tpu.memory_space<vmem>>, vector<1x16xf32>,
      %get3A_681 = vector.shape_cast %get3A_680 : vector<1x16xf32> to vector<16xf32>
      %add3A_682 = arith.constant 13 : i32
      %add3A_683 = arith.addi %mul3A_319, %add3A_682 : i32
      %get3A_684 = arith.index_cast %add3A_683 : i32 to index
      %get3A_685 = arith.constant 0 : index
      %get3A_686 = tpu.vector_load %arg12[%get3A_684, %get3A_685] {strides = array<i32>} : memref<512x32xf32, #tpu.memory_space<vmem>>, vector<1x16xf32>,
      %get3A_687 = vector.shape_cast %get3A_686 : vector<1x16xf32> to vector<16xf32>
      %add3A_688 = arith.constant 13 : i32
      %add3A_689 = arith.addi %mul3A_319, %add3A_688 : i32
      %get3A_690 = arith.index_cast %add3A_689 : i32 to index
      %get3A_691 = arith.constant 16 : index
      %get3A_692 = tpu.vector_load %arg12[%get3A_690, %get3A_691] {strides = array<i32>} : memref<512x32xf32, #tpu.memory_space<vmem>>, vector<1x16xf32>,
      %get3A_693 = vector.shape_cast %get3A_692 : vector<1x16xf32> to vector<16xf32>
      %mul3A_694 = arith.mulf %get3A_675, %get3A_687 : vector<16xf32>
      %mul3A_695 = arith.mulf %get3A_681, %get3A_693 : vector<16xf32>
      %add3A_696 = arith.addf %mul3A_694, %mul3A_695 : vector<16xf32>
      %add3A_697 = arith.constant 14 : i32
      %add3A_698 = arith.addi %mul3A_319, %add3A_697 : i32
      %get3A_699 = arith.index_cast %add3A_698 : i32 to index
      %get3A_700 = arith.constant 0 : index
      %get3A_701 = tpu.vector_load %arg11[%get3A_699, %get3A_700] {strides = array<i32>} : memref<512x32xf32, #tpu.memory_space<vmem>>, vector<1x16xf32>,
      %get3A_702 = vector.shape_cast %get3A_701 : vector<1x16xf32> to vector<16xf32>
      %add3A_703 = arith.constant 14 : i32
      %add3A_704 = arith.addi %mul3A_319, %add3A_703 : i32
      %get3A_705 = arith.index_cast %add3A_704 : i32 to index
      %get3A_706 = arith.constant 16 : index
      %get3A_707 = tpu.vector_load %arg11[%get3A_705, %get3A_706] {strides = array<i32>} : memref<512x32xf32, #tpu.memory_space<vmem>>, vector<1x16xf32>,
      %get3A_708 = vector.shape_cast %get3A_707 : vector<1x16xf32> to vector<16xf32>
      %add3A_709 = arith.constant 14 : i32
      %add3A_710 = arith.addi %mul3A_319, %add3A_709 : i32
      %get3A_711 = arith.index_cast %add3A_710 : i32 to index
      %get3A_712 = arith.constant 0 : index
      %get3A_713 = tpu.vector_load %arg12[%get3A_711, %get3A_712] {strides = array<i32>} : memref<512x32xf32, #tpu.memory_space<vmem>>, vector<1x16xf32>,
      %get3A_714 = vector.shape_cast %get3A_713 : vector<1x16xf32> to vector<16xf32>
      %add3A_715 = arith.constant 14 : i32
      %add3A_716 = arith.addi %mul3A_319, %add3A_715 : i32
      %get3A_717 = arith.index_cast %add3A_716 : i32 to index
      %get3A_718 = arith.constant 16 : index
      %get3A_719 = tpu.vector_load %arg12[%get3A_717, %get3A_718] {strides = array<i32>} : memref<512x32xf32, #tpu.memory_space<vmem>>, vector<1x16xf32>,
      %get3A_720 = vector.shape_cast %get3A_719 : vector<1x16xf32> to vector<16xf32>
      %mul3A_721 = arith.mulf %get3A_702, %get3A_714 : vector<16xf32>
      %mul3A_722 = arith.mulf %get3A_708, %get3A_720 : vector<16xf32>
      %add3A_723 = arith.addf %mul3A_721, %mul3A_722 : vector<16xf32>
      %add3A_724 = arith.constant 15 : i32
      %add3A_725 = arith.addi %mul3A_319, %add3A_724 : i32
      %get3A_726 = arith.index_cast %add3A_725 : i32 to index
      %get3A_727 = arith.constant 0 : index
      %get3A_728 = tpu.vector_load %arg11[%get3A_726, %get3A_727] {strides = array<i32>} : memref<512x32xf32, #tpu.memory_space<vmem>>, vector<1x16xf32>,
      %get3A_729 = vector.shape_cast %get3A_728 : vector<1x16xf32> to vector<16xf32>
      %add3A_730 = arith.constant 15 : i32
      %add3A_731 = arith.addi %mul3A_319, %add3A_730 : i32
      %get3A_732 = arith.index_cast %add3A_731 : i32 to index
      %get3A_733 = arith.constant 16 : index
      %get3A_734 = tpu.vector_load %arg11[%get3A_732, %get3A_733] {strides = array<i32>} : memref<512x32xf32, #tpu.memory_space<vmem>>, vector<1x16xf32>,
      %get3A_735 = vector.shape_cast %get3A_734 : vector<1x16xf32> to vector<16xf32>
      %add3A_736 = arith.constant 15 : i32
      %add3A_737 = arith.addi %mul3A_319, %add3A_736 : i32
      %get3A_738 = arith.index_cast %add3A_737 : i32 to index
      %get3A_739 = arith.constant 0 : index
      %get3A_740 = tpu.vector_load %arg12[%get3A_738, %get3A_739] {strides = array<i32>} : memref<512x32xf32, #tpu.memory_space<vmem>>, vector<1x16xf32>,
      %get3A_741 = vector.shape_cast %get3A_740 : vector<1x16xf32> to vector<16xf32>
      %add3A_742 = arith.constant 15 : i32
      %add3A_743 = arith.addi %mul3A_319, %add3A_742 : i32
      %get3A_744 = arith.index_cast %add3A_743 : i32 to index
      %get3A_745 = arith.constant 16 : index
      %get3A_746 = tpu.vector_load %arg12[%get3A_744, %get3A_745] {strides = array<i32>} : memref<512x32xf32, #tpu.memory_space<vmem>>, vector<1x16xf32>,
      %get3A_747 = vector.shape_cast %get3A_746 : vector<1x16xf32> to vector<16xf32>
      %mul3A_748 = arith.mulf %get3A_729, %get3A_741 : vector<16xf32>
      %mul3A_749 = arith.mulf %get3A_735, %get3A_747 : vector<16xf32>
      %add3A_750 = arith.addf %mul3A_748, %mul3A_749 : vector<16xf32>
      %and3A = arith.constant 1 : i32
      %and3A_751 = vector.broadcast %and3A : i32 to vector<16xi32>
      %and3A_752 = arith.andi %iota3A, %and3A_751 : vector<16xi32>
      %eq3A = arith.constant 0 : i32
      %eq3A_753 = vector.broadcast %eq3A : i32 to vector<16xi32>
      %eq3A_754 = arith.cmpi eq, %and3A_752, %eq3A_753 : vector<16xi32>
      %select_n3A = arith.select %eq3A_754, %add3A_345, %add3A_372 : vector<16xi1>, vector<16xf32>
      %select_n3A_755 = arith.select %eq3A_754, %add3A_372, %add3A_345 : vector<16xi1>, vector<16xf32>
      %xor3A = arith.constant 1 : i32
      %xor3A_756 = vector.broadcast %xor3A : i32 to vector<16xi32>
      %xor3A_757 = arith.xori %iota3A, %xor3A_756 : vector<16xi32>
      %lt3A = arith.constant 0 : i32
      %lt3A_758 = vector.broadcast %lt3A : i32 to vector<16xi32>
      %lt3A_759 = arith.cmpi slt, %xor3A_757, %lt3A_758 : vector<16xi32>
      %add3A_760 = arith.constant 16 : i32
      %add3A_761 = vector.broadcast %add3A_760 : i32 to vector<16xi32>
      %add3A_762 = arith.addi %xor3A_757, %add3A_761 : vector<16xi32>
      %select_n3A_763 = arith.select %lt3A_759, %add3A_762, %xor3A_757 : vector<16xi1>, vector<16xi32>
      %broadcast_in_dim3A = vector.shape_cast %select_n3A_763 : vector<16xi32> to vector<16x1xi32>
      %gather3A = vector.shape_cast %broadcast_in_dim3A : vector<16x1xi32> to vector<16xi32>
      %gather3A_764 = tpu.dynamic_gather %select_n3A_755[%gather3A] in [0] : vector<16xf32>, vector<16xi32> -> vector<16xf32>
      %add3A_765 = arith.addf %select_n3A, %gather3A_764 : vector<16xf32>
      %select_n3A_766 = arith.select %eq3A_754, %add3A_399, %add3A_426 : vector<16xi1>, vector<16xf32>
      %select_n3A_767 = arith.select %eq3A_754, %add3A_426, %add3A_399 : vector<16xi1>, vector<16xf32>
      %xor3A_768 = arith.constant 1 : i32
      %xor3A_769 = vector.broadcast %xor3A_768 : i32 to vector<16xi32>
      %xor3A_770 = arith.xori %iota3A, %xor3A_769 : vector<16xi32>
      %lt3A_771 = arith.constant 0 : i32
      %lt3A_772 = vector.broadcast %lt3A_771 : i32 to vector<16xi32>
      %lt3A_773 = arith.cmpi slt, %xor3A_770, %lt3A_772 : vector<16xi32>
      %add3A_774 = arith.constant 16 : i32
      %add3A_775 = vector.broadcast %add3A_774 : i32 to vector<16xi32>
      %add3A_776 = arith.addi %xor3A_770, %add3A_775 : vector<16xi32>
      %select_n3A_777 = arith.select %lt3A_773, %add3A_776, %xor3A_770 : vector<16xi1>, vector<16xi32>
      %broadcast_in_dim3A_778 = vector.shape_cast %select_n3A_777 : vector<16xi32> to vector<16x1xi32>
      %gather3A_779 = vector.shape_cast %broadcast_in_dim3A_778 : vector<16x1xi32> to vector<16xi32>
      %gather3A_780 = tpu.dynamic_gather %select_n3A_767[%gather3A_779] in [0] : vector<16xf32>, vector<16xi32> -> vector<16xf32>
      %add3A_781 = arith.addf %select_n3A_766, %gather3A_780 : vector<16xf32>
      %select_n3A_782 = arith.select %eq3A_754, %add3A_453, %add3A_480 : vector<16xi1>, vector<16xf32>
      %select_n3A_783 = arith.select %eq3A_754, %add3A_480, %add3A_453 : vector<16xi1>, vector<16xf32>
      %xor3A_784 = arith.constant 1 : i32
      %xor3A_785 = vector.broadcast %xor3A_784 : i32 to vector<16xi32>
      %xor3A_786 = arith.xori %iota3A, %xor3A_785 : vector<16xi32>
      %lt3A_787 = arith.constant 0 : i32
      %lt3A_788 = vector.broadcast %lt3A_787 : i32 to vector<16xi32>
      %lt3A_789 = arith.cmpi slt, %xor3A_786, %lt3A_788 : vector<16xi32>
      %add3A_790 = arith.constant 16 : i32
      %add3A_791 = vector.broadcast %add3A_790 : i32 to vector<16xi32>
      %add3A_792 = arith.addi %xor3A_786, %add3A_791 : vector<16xi32>
      %select_n3A_793 = arith.select %lt3A_789, %add3A_792, %xor3A_786 : vector<16xi1>, vector<16xi32>
      %broadcast_in_dim3A_794 = vector.shape_cast %select_n3A_793 : vector<16xi32> to vector<16x1xi32>
      %gather3A_795 = vector.shape_cast %broadcast_in_dim3A_794 : vector<16x1xi32> to vector<16xi32>
      %gather3A_796 = tpu.dynamic_gather %select_n3A_783[%gather3A_795] in [0] : vector<16xf32>, vector<16xi32> -> vector<16xf32>
      %add3A_797 = arith.addf %select_n3A_782, %gather3A_796 : vector<16xf32>
      %select_n3A_798 = arith.select %eq3A_754, %add3A_507, %add3A_534 : vector<16xi1>, vector<16xf32>
      %select_n3A_799 = arith.select %eq3A_754, %add3A_534, %add3A_507 : vector<16xi1>, vector<16xf32>
      %xor3A_800 = arith.constant 1 : i32
      %xor3A_801 = vector.broadcast %xor3A_800 : i32 to vector<16xi32>
      %xor3A_802 = arith.xori %iota3A, %xor3A_801 : vector<16xi32>
      %lt3A_803 = arith.constant 0 : i32
      %lt3A_804 = vector.broadcast %lt3A_803 : i32 to vector<16xi32>
      %lt3A_805 = arith.cmpi slt, %xor3A_802, %lt3A_804 : vector<16xi32>
      %add3A_806 = arith.constant 16 : i32
      %add3A_807 = vector.broadcast %add3A_806 : i32 to vector<16xi32>
      %add3A_808 = arith.addi %xor3A_802, %add3A_807 : vector<16xi32>
      %select_n3A_809 = arith.select %lt3A_805, %add3A_808, %xor3A_802 : vector<16xi1>, vector<16xi32>
      %broadcast_in_dim3A_810 = vector.shape_cast %select_n3A_809 : vector<16xi32> to vector<16x1xi32>
      %gather3A_811 = vector.shape_cast %broadcast_in_dim3A_810 : vector<16x1xi32> to vector<16xi32>
      %gather3A_812 = tpu.dynamic_gather %select_n3A_799[%gather3A_811] in [0] : vector<16xf32>, vector<16xi32> -> vector<16xf32>
      %add3A_813 = arith.addf %select_n3A_798, %gather3A_812 : vector<16xf32>
      %select_n3A_814 = arith.select %eq3A_754, %add3A_561, %add3A_588 : vector<16xi1>, vector<16xf32>
      %select_n3A_815 = arith.select %eq3A_754, %add3A_588, %add3A_561 : vector<16xi1>, vector<16xf32>
      %xor3A_816 = arith.constant 1 : i32
      %xor3A_817 = vector.broadcast %xor3A_816 : i32 to vector<16xi32>
      %xor3A_818 = arith.xori %iota3A, %xor3A_817 : vector<16xi32>
      %lt3A_819 = arith.constant 0 : i32
      %lt3A_820 = vector.broadcast %lt3A_819 : i32 to vector<16xi32>
      %lt3A_821 = arith.cmpi slt, %xor3A_818, %lt3A_820 : vector<16xi32>
      %add3A_822 = arith.constant 16 : i32
      %add3A_823 = vector.broadcast %add3A_822 : i32 to vector<16xi32>
      %add3A_824 = arith.addi %xor3A_818, %add3A_823 : vector<16xi32>
      %select_n3A_825 = arith.select %lt3A_821, %add3A_824, %xor3A_818 : vector<16xi1>, vector<16xi32>
      %broadcast_in_dim3A_826 = vector.shape_cast %select_n3A_825 : vector<16xi32> to vector<16x1xi32>
      %gather3A_827 = vector.shape_cast %broadcast_in_dim3A_826 : vector<16x1xi32> to vector<16xi32>
      %gather3A_828 = tpu.dynamic_gather %select_n3A_815[%gather3A_827] in [0] : vector<16xf32>, vector<16xi32> -> vector<16xf32>
      %add3A_829 = arith.addf %select_n3A_814, %gather3A_828 : vector<16xf32>
      %select_n3A_830 = arith.select %eq3A_754, %add3A_615, %add3A_642 : vector<16xi1>, vector<16xf32>
      %select_n3A_831 = arith.select %eq3A_754, %add3A_642, %add3A_615 : vector<16xi1>, vector<16xf32>
      %xor3A_832 = arith.constant 1 : i32
      %xor3A_833 = vector.broadcast %xor3A_832 : i32 to vector<16xi32>
      %xor3A_834 = arith.xori %iota3A, %xor3A_833 : vector<16xi32>
      %lt3A_835 = arith.constant 0 : i32
      %lt3A_836 = vector.broadcast %lt3A_835 : i32 to vector<16xi32>
      %lt3A_837 = arith.cmpi slt, %xor3A_834, %lt3A_836 : vector<16xi32>
      %add3A_838 = arith.constant 16 : i32
      %add3A_839 = vector.broadcast %add3A_838 : i32 to vector<16xi32>
      %add3A_840 = arith.addi %xor3A_834, %add3A_839 : vector<16xi32>
      %select_n3A_841 = arith.select %lt3A_837, %add3A_840, %xor3A_834 : vector<16xi1>, vector<16xi32>
      %broadcast_in_dim3A_842 = vector.shape_cast %select_n3A_841 : vector<16xi32> to vector<16x1xi32>
      %gather3A_843 = vector.shape_cast %broadcast_in_dim3A_842 : vector<16x1xi32> to vector<16xi32>
      %gather3A_844 = tpu.dynamic_gather %select_n3A_831[%gather3A_843] in [0] : vector<16xf32>, vector<16xi32> -> vector<16xf32>
      %add3A_845 = arith.addf %select_n3A_830, %gather3A_844 : vector<16xf32>
      %select_n3A_846 = arith.select %eq3A_754, %add3A_669, %add3A_696 : vector<16xi1>, vector<16xf32>
      %select_n3A_847 = arith.select %eq3A_754, %add3A_696, %add3A_669 : vector<16xi1>, vector<16xf32>
      %xor3A_848 = arith.constant 1 : i32
      %xor3A_849 = vector.broadcast %xor3A_848 : i32 to vector<16xi32>
      %xor3A_850 = arith.xori %iota3A, %xor3A_849 : vector<16xi32>
      %lt3A_851 = arith.constant 0 : i32
      %lt3A_852 = vector.broadcast %lt3A_851 : i32 to vector<16xi32>
      %lt3A_853 = arith.cmpi slt, %xor3A_850, %lt3A_852 : vector<16xi32>
      %add3A_854 = arith.constant 16 : i32
      %add3A_855 = vector.broadcast %add3A_854 : i32 to vector<16xi32>
      %add3A_856 = arith.addi %xor3A_850, %add3A_855 : vector<16xi32>
      %select_n3A_857 = arith.select %lt3A_853, %add3A_856, %xor3A_850 : vector<16xi1>, vector<16xi32>
      %broadcast_in_dim3A_858 = vector.shape_cast %select_n3A_857 : vector<16xi32> to vector<16x1xi32>
      %gather3A_859 = vector.shape_cast %broadcast_in_dim3A_858 : vector<16x1xi32> to vector<16xi32>
      %gather3A_860 = tpu.dynamic_gather %select_n3A_847[%gather3A_859] in [0] : vector<16xf32>, vector<16xi32> -> vector<16xf32>
      %add3A_861 = arith.addf %select_n3A_846, %gather3A_860 : vector<16xf32>
      %select_n3A_862 = arith.select %eq3A_754, %add3A_723, %add3A_750 : vector<16xi1>, vector<16xf32>
      %select_n3A_863 = arith.select %eq3A_754, %add3A_750, %add3A_723 : vector<16xi1>, vector<16xf32>
      %xor3A_864 = arith.constant 1 : i32
      %xor3A_865 = vector.broadcast %xor3A_864 : i32 to vector<16xi32>
      %xor3A_866 = arith.xori %iota3A, %xor3A_865 : vector<16xi32>
      %lt3A_867 = arith.constant 0 : i32
      %lt3A_868 = vector.broadcast %lt3A_867 : i32 to vector<16xi32>
      %lt3A_869 = arith.cmpi slt, %xor3A_866, %lt3A_868 : vector<16xi32>
      %add3A_870 = arith.constant 16 : i32
      %add3A_871 = vector.broadcast %add3A_870 : i32 to vector<16xi32>
      %add3A_872 = arith.addi %xor3A_866, %add3A_871 : vector<16xi32>
      %select_n3A_873 = arith.select %lt3A_869, %add3A_872, %xor3A_866 : vector<16xi1>, vector<16xi32>
      %broadcast_in_dim3A_874 = vector.shape_cast %select_n3A_873 : vector<16xi32> to vector<16x1xi32>
      %gather3A_875 = vector.shape_cast %broadcast_in_dim3A_874 : vector<16x1xi32> to vector<16xi32>
      %gather3A_876 = tpu.dynamic_gather %select_n3A_863[%gather3A_875] in [0] : vector<16xf32>, vector<16xi32> -> vector<16xf32>
      %add3A_877 = arith.addf %select_n3A_862, %gather3A_876 : vector<16xf32>
      %and3A_878 = arith.constant 2 : i32
      %and3A_879 = vector.broadcast %and3A_878 : i32 to vector<16xi32>
      %and3A_880 = arith.andi %iota3A, %and3A_879 : vector<16xi32>
      %eq3A_881 = arith.constant 0 : i32
      %eq3A_882 = vector.broadcast %eq3A_881 : i32 to vector<16xi32>
      %eq3A_883 = arith.cmpi eq, %and3A_880, %eq3A_882 : vector<16xi32>
      %select_n3A_884 = arith.select %eq3A_883, %add3A_765, %add3A_781 : vector<16xi1>, vector<16xf32>
      %select_n3A_885 = arith.select %eq3A_883, %add3A_781, %add3A_765 : vector<16xi1>, vector<16xf32>
      %xor3A_886 = arith.constant 2 : i32
      %xor3A_887 = vector.broadcast %xor3A_886 : i32 to vector<16xi32>
      %xor3A_888 = arith.xori %iota3A, %xor3A_887 : vector<16xi32>
      %lt3A_889 = arith.constant 0 : i32
      %lt3A_890 = vector.broadcast %lt3A_889 : i32 to vector<16xi32>
      %lt3A_891 = arith.cmpi slt, %xor3A_888, %lt3A_890 : vector<16xi32>
      %add3A_892 = arith.constant 16 : i32
      %add3A_893 = vector.broadcast %add3A_892 : i32 to vector<16xi32>
      %add3A_894 = arith.addi %xor3A_888, %add3A_893 : vector<16xi32>
      %select_n3A_895 = arith.select %lt3A_891, %add3A_894, %xor3A_888 : vector<16xi1>, vector<16xi32>
      %broadcast_in_dim3A_896 = vector.shape_cast %select_n3A_895 : vector<16xi32> to vector<16x1xi32>
      %gather3A_897 = vector.shape_cast %broadcast_in_dim3A_896 : vector<16x1xi32> to vector<16xi32>
      %gather3A_898 = tpu.dynamic_gather %select_n3A_885[%gather3A_897] in [0] : vector<16xf32>, vector<16xi32> -> vector<16xf32>
      %add3A_899 = arith.addf %select_n3A_884, %gather3A_898 : vector<16xf32>
      %select_n3A_900 = arith.select %eq3A_883, %add3A_797, %add3A_813 : vector<16xi1>, vector<16xf32>
      %select_n3A_901 = arith.select %eq3A_883, %add3A_813, %add3A_797 : vector<16xi1>, vector<16xf32>
      %xor3A_902 = arith.constant 2 : i32
      %xor3A_903 = vector.broadcast %xor3A_902 : i32 to vector<16xi32>
      %xor3A_904 = arith.xori %iota3A, %xor3A_903 : vector<16xi32>
      %lt3A_905 = arith.constant 0 : i32
      %lt3A_906 = vector.broadcast %lt3A_905 : i32 to vector<16xi32>
      %lt3A_907 = arith.cmpi slt, %xor3A_904, %lt3A_906 : vector<16xi32>
      %add3A_908 = arith.constant 16 : i32
      %add3A_909 = vector.broadcast %add3A_908 : i32 to vector<16xi32>
      %add3A_910 = arith.addi %xor3A_904, %add3A_909 : vector<16xi32>
      %select_n3A_911 = arith.select %lt3A_907, %add3A_910, %xor3A_904 : vector<16xi1>, vector<16xi32>
      %broadcast_in_dim3A_912 = vector.shape_cast %select_n3A_911 : vector<16xi32> to vector<16x1xi32>
      %gather3A_913 = vector.shape_cast %broadcast_in_dim3A_912 : vector<16x1xi32> to vector<16xi32>
      %gather3A_914 = tpu.dynamic_gather %select_n3A_901[%gather3A_913] in [0] : vector<16xf32>, vector<16xi32> -> vector<16xf32>
      %add3A_915 = arith.addf %select_n3A_900, %gather3A_914 : vector<16xf32>
      %select_n3A_916 = arith.select %eq3A_883, %add3A_829, %add3A_845 : vector<16xi1>, vector<16xf32>
      %select_n3A_917 = arith.select %eq3A_883, %add3A_845, %add3A_829 : vector<16xi1>, vector<16xf32>
      %xor3A_918 = arith.constant 2 : i32
      %xor3A_919 = vector.broadcast %xor3A_918 : i32 to vector<16xi32>
      %xor3A_920 = arith.xori %iota3A, %xor3A_919 : vector<16xi32>
      %lt3A_921 = arith.constant 0 : i32
      %lt3A_922 = vector.broadcast %lt3A_921 : i32 to vector<16xi32>
      %lt3A_923 = arith.cmpi slt, %xor3A_920, %lt3A_922 : vector<16xi32>
      %add3A_924 = arith.constant 16 : i32
      %add3A_925 = vector.broadcast %add3A_924 : i32 to vector<16xi32>
      %add3A_926 = arith.addi %xor3A_920, %add3A_925 : vector<16xi32>
      %select_n3A_927 = arith.select %lt3A_923, %add3A_926, %xor3A_920 : vector<16xi1>, vector<16xi32>
      %broadcast_in_dim3A_928 = vector.shape_cast %select_n3A_927 : vector<16xi32> to vector<16x1xi32>
      %gather3A_929 = vector.shape_cast %broadcast_in_dim3A_928 : vector<16x1xi32> to vector<16xi32>
      %gather3A_930 = tpu.dynamic_gather %select_n3A_917[%gather3A_929] in [0] : vector<16xf32>, vector<16xi32> -> vector<16xf32>
      %add3A_931 = arith.addf %select_n3A_916, %gather3A_930 : vector<16xf32>
      %select_n3A_932 = arith.select %eq3A_883, %add3A_861, %add3A_877 : vector<16xi1>, vector<16xf32>
      %select_n3A_933 = arith.select %eq3A_883, %add3A_877, %add3A_861 : vector<16xi1>, vector<16xf32>
      %xor3A_934 = arith.constant 2 : i32
      %xor3A_935 = vector.broadcast %xor3A_934 : i32 to vector<16xi32>
      %xor3A_936 = arith.xori %iota3A, %xor3A_935 : vector<16xi32>
      %lt3A_937 = arith.constant 0 : i32
      %lt3A_938 = vector.broadcast %lt3A_937 : i32 to vector<16xi32>
      %lt3A_939 = arith.cmpi slt, %xor3A_936, %lt3A_938 : vector<16xi32>
      %add3A_940 = arith.constant 16 : i32
      %add3A_941 = vector.broadcast %add3A_940 : i32 to vector<16xi32>
      %add3A_942 = arith.addi %xor3A_936, %add3A_941 : vector<16xi32>
      %select_n3A_943 = arith.select %lt3A_939, %add3A_942, %xor3A_936 : vector<16xi1>, vector<16xi32>
      %broadcast_in_dim3A_944 = vector.shape_cast %select_n3A_943 : vector<16xi32> to vector<16x1xi32>
      %gather3A_945 = vector.shape_cast %broadcast_in_dim3A_944 : vector<16x1xi32> to vector<16xi32>
      %gather3A_946 = tpu.dynamic_gather %select_n3A_933[%gather3A_945] in [0] : vector<16xf32>, vector<16xi32> -> vector<16xf32>
      %add3A_947 = arith.addf %select_n3A_932, %gather3A_946 : vector<16xf32>
      %and3A_948 = arith.constant 4 : i32
      %and3A_949 = vector.broadcast %and3A_948 : i32 to vector<16xi32>
      %and3A_950 = arith.andi %iota3A, %and3A_949 : vector<16xi32>
      %eq3A_951 = arith.constant 0 : i32
      %eq3A_952 = vector.broadcast %eq3A_951 : i32 to vector<16xi32>
      %eq3A_953 = arith.cmpi eq, %and3A_950, %eq3A_952 : vector<16xi32>
      %select_n3A_954 = arith.select %eq3A_953, %add3A_899, %add3A_915 : vector<16xi1>, vector<16xf32>
      %select_n3A_955 = arith.select %eq3A_953, %add3A_915, %add3A_899 : vector<16xi1>, vector<16xf32>
      %xor3A_956 = arith.constant 4 : i32
      %xor3A_957 = vector.broadcast %xor3A_956 : i32 to vector<16xi32>
      %xor3A_958 = arith.xori %iota3A, %xor3A_957 : vector<16xi32>
      %lt3A_959 = arith.constant 0 : i32
      %lt3A_960 = vector.broadcast %lt3A_959 : i32 to vector<16xi32>
      %lt3A_961 = arith.cmpi slt, %xor3A_958, %lt3A_960 : vector<16xi32>
      %add3A_962 = arith.constant 16 : i32
      %add3A_963 = vector.broadcast %add3A_962 : i32 to vector<16xi32>
      %add3A_964 = arith.addi %xor3A_958, %add3A_963 : vector<16xi32>
      %select_n3A_965 = arith.select %lt3A_961, %add3A_964, %xor3A_958 : vector<16xi1>, vector<16xi32>
      %broadcast_in_dim3A_966 = vector.shape_cast %select_n3A_965 : vector<16xi32> to vector<16x1xi32>
      %gather3A_967 = vector.shape_cast %broadcast_in_dim3A_966 : vector<16x1xi32> to vector<16xi32>
      %gather3A_968 = tpu.dynamic_gather %select_n3A_955[%gather3A_967] in [0] : vector<16xf32>, vector<16xi32> -> vector<16xf32>
      %add3A_969 = arith.addf %select_n3A_954, %gather3A_968 : vector<16xf32>
      %select_n3A_970 = arith.select %eq3A_953, %add3A_931, %add3A_947 : vector<16xi1>, vector<16xf32>
      %select_n3A_971 = arith.select %eq3A_953, %add3A_947, %add3A_931 : vector<16xi1>, vector<16xf32>
      %xor3A_972 = arith.constant 4 : i32
      %xor3A_973 = vector.broadcast %xor3A_972 : i32 to vector<16xi32>
      %xor3A_974 = arith.xori %iota3A, %xor3A_973 : vector<16xi32>
      %lt3A_975 = arith.constant 0 : i32
      %lt3A_976 = vector.broadcast %lt3A_975 : i32 to vector<16xi32>
      %lt3A_977 = arith.cmpi slt, %xor3A_974, %lt3A_976 : vector<16xi32>
      %add3A_978 = arith.constant 16 : i32
      %add3A_979 = vector.broadcast %add3A_978 : i32 to vector<16xi32>
      %add3A_980 = arith.addi %xor3A_974, %add3A_979 : vector<16xi32>
      %select_n3A_981 = arith.select %lt3A_977, %add3A_980, %xor3A_974 : vector<16xi1>, vector<16xi32>
      %broadcast_in_dim3A_982 = vector.shape_cast %select_n3A_981 : vector<16xi32> to vector<16x1xi32>
      %gather3A_983 = vector.shape_cast %broadcast_in_dim3A_982 : vector<16x1xi32> to vector<16xi32>
      %gather3A_984 = tpu.dynamic_gather %select_n3A_971[%gather3A_983] in [0] : vector<16xf32>, vector<16xi32> -> vector<16xf32>
      %add3A_985 = arith.addf %select_n3A_970, %gather3A_984 : vector<16xf32>
      %and3A_986 = arith.constant 8 : i32
      %and3A_987 = vector.broadcast %and3A_986 : i32 to vector<16xi32>
      %and3A_988 = arith.andi %iota3A, %and3A_987 : vector<16xi32>
      %eq3A_989 = arith.constant 0 : i32
      %eq3A_990 = vector.broadcast %eq3A_989 : i32 to vector<16xi32>
      %eq3A_991 = arith.cmpi eq, %and3A_988, %eq3A_990 : vector<16xi32>
      %select_n3A_992 = arith.select %eq3A_991, %add3A_969, %add3A_985 : vector<16xi1>, vector<16xf32>
      %select_n3A_993 = arith.select %eq3A_991, %add3A_985, %add3A_969 : vector<16xi1>, vector<16xf32>
      %xor3A_994 = arith.constant 8 : i32
      %xor3A_995 = vector.broadcast %xor3A_994 : i32 to vector<16xi32>
      %xor3A_996 = arith.xori %iota3A, %xor3A_995 : vector<16xi32>
      %lt3A_997 = arith.constant 0 : i32
      %lt3A_998 = vector.broadcast %lt3A_997 : i32 to vector<16xi32>
      %lt3A_999 = arith.cmpi slt, %xor3A_996, %lt3A_998 : vector<16xi32>
      %add3A_1000 = arith.constant 16 : i32
      %add3A_1001 = vector.broadcast %add3A_1000 : i32 to vector<16xi32>
      %add3A_1002 = arith.addi %xor3A_996, %add3A_1001 : vector<16xi32>
      %select_n3A_1003 = arith.select %lt3A_999, %add3A_1002, %xor3A_996 : vector<16xi1>, vector<16xi32>
      %broadcast_in_dim3A_1004 = vector.shape_cast %select_n3A_1003 : vector<16xi32> to vector<16x1xi32>
      %gather3A_1005 = vector.shape_cast %broadcast_in_dim3A_1004 : vector<16x1xi32> to vector<16xi32>
      %gather3A_1006 = tpu.dynamic_gather %select_n3A_993[%gather3A_1005] in [0] : vector<16xf32>, vector<16xi32> -> vector<16xf32>
      %add3A_1007 = arith.addf %select_n3A_992, %gather3A_1006 : vector<16xf32>
      %get3A_1008 = arith.index_cast %mul3A_319 : i32 to index
      %get3A_1009 = tpu.vector_load %arg13[%get3A_1008] {strides = array<i32>} : memref<512xf32, #tpu.memory_space<vmem>>, vector<16xf32>,
      %get3A_1010 = vector.shape_cast %get3A_1009 : vector<16xf32> to vector<16xf32>
      %add3A_1011 = arith.addf %add3A_1007, %get3A_1010 : vector<16xf32>
      %get3A_1012 = arith.index_cast %mul3A_319 : i32 to index
      %get3A_1013 = tpu.vector_load %arg14[%get3A_1012] {strides = array<i32>} : memref<512xf32, #tpu.memory_space<vmem>>, vector<16xf32>,
      %get3A_1014 = vector.shape_cast %get3A_1013 : vector<16xf32> to vector<16xf32>
      %add3A_1015 = arith.addf %add3A_1011, %get3A_1014 : vector<16xf32>
      %swap3A = arith.index_cast %mul3A_319 : i32 to index
      %swap3A_1016 = tpu.vector_load %arg15[%swap3A] {strides = array<i32>} : memref<512xf32, #tpu.memory_space<vmem>>, vector<16xf32>,
      %swap3A_1017 = vector.shape_cast %swap3A_1016 : vector<16xf32> to vector<16xf32>
      %swap3A_1018 = vector.shape_cast %add3A_1015 : vector<16xf32> to vector<16xf32>
      tpu.vector_store %arg15[%swap3A], %swap3A_1018 {strides = array<i32>} : memref<512xf32, #tpu.memory_space<vmem>>, vector<16xf32>,
    }
    %scan3A_316 = arith.constant 32 : i32
    "tpu.region"() ({
      %run_scoped3A_317 = tpu.sem_alloc : memref<!tpu.dma_semaphore, #tpu.memory_space<semaphore_mem>>
      %dma_start3A_318 = tpu.memref_slice %arg8[%mul3A_2] : memref<16384xf32, #tpu.memory_space<hbm>> -> memref<512xf32, #tpu.memory_space<hbm>>
      %dma_start3A_319 = tpu.memref_slice %arg8[%mul3A_2] : memref<16384xf32, #tpu.memory_space<hbm>> -> memref<512xf32, #tpu.memory_space<hbm>>
      tpu.enqueue_dma source(%arg15 : memref<512xf32, #tpu.memory_space<vmem>>) target(%dma_start3A_319 : memref<512xf32, #tpu.memory_space<hbm>>) target_semaphore(%run_scoped3A_317 : memref<!tpu.dma_semaphore, #tpu.memory_space<semaphore_mem>>)
      %dma_wait3A_320 = tpu.memref_slice %arg8[%mul3A_2] : memref<16384xf32, #tpu.memory_space<hbm>> -> memref<512xf32, #tpu.memory_space<hbm>>
      %dma_wait3A_321 = tpu.memref_slice %arg8[%mul3A_2] : memref<16384xf32, #tpu.memory_space<hbm>> -> memref<512xf32, #tpu.memory_space<hbm>>
      tpu.wait_dma2 semaphore(%run_scoped3A_317 : memref<!tpu.dma_semaphore, #tpu.memory_space<semaphore_mem>>) src(%arg15 : memref<512xf32, #tpu.memory_space<vmem>>) dst(%dma_wait3A_321 : memref<512xf32, #tpu.memory_space<hbm>>)
      tpu.yield
    }) : () -> ()
    return
  }
}

</mosaic_0001>

<sc_bundles>
// kernel: kernel.3.cloned.1.call-start
scs
__scs_entry_jumppad:
0x0: {  	(pc) =	sbr.rel $0x88, $3  }
0x1: {  	(tag) =	ssettag $0x0;
	lr =	simm.s32 $0x1  }
0x2: {  	[smem:$0x3F9B] =	sst lr;
	_ =	strace $0xD0000000  }
0x3: {  	_ = 	snop  }
0x4: {  	_ = 	snop  }
0x5: {  	_ = 	snop  }
0x6: {  	_ = 	snop  }
0x7: {  	_ = 	snop  }
__scs_overlays_trampoline_lowered:
0x8: {  	[smem:$0x3FAA] =	sst s0  }
0x9: {  	[smem:$0x3FAB] =	sst s1  }
0xa: {  	[smem:$0x3FAC] =	sst s2  }
0xb: {  	[smem:$0x3FAD] =	sst s3  }
0xc: {  	[smem:$0x3FAE] =	sst s4  }
0xd: {  	[smem:$0x3FAF] =	sst s5  }
0xe: {  	[smem:$0x3FB0] =	sst s6  }
0xf: {  	[smem:$0x3FB1] =	sst s7  }
0x10: {  	[smem:$0x3FB2] =	sst s8  }
0x11: {  	[smem:$0x3FB3] =	sst s9;
	s0 =	simm.s32 @!p0 $0x0  }
0x12: {  	s1 =	sld [smem:$0x3F99];
	s0 =	simm.s32 @p0 $0x1  }
0x13: {  	[smem:$0x3FB4] =	sst s0;
	s0 =	simm.s32 @!p1 $0x0  }
0x14: {  	s2 =	sld [smem:$0x3F98];
	s0 =	simm.s32 @p1 $0x1  }
0x15: {  	[smem:$0x3FB5] =	sst s0;
	s0 =	simm.s32 @!p2 $0x0  }
0x16: {  	s3 =	sld [smem:$0x3FDB];
	s0 =	simm.s32 @p2 $0x1  }
0x17: {  	s4 =	simm.s32 $0x1BF5;
	[smem:$0x3FB7] =	sst s0  }
0x18: {  	s0 =	sld [smem:$0x3F9A];
	_ =	swait.ge [sflag:s4], $0x0  }
0x19: {  	s7 =	sld [smem:$0x3F9B]  }
0x1a: {  	s8 =	sadd.s32 $0xFFFFE003, lr  }
0x1b: {  	s9 =	sadd.s32 $0xFFFFFEF7, lr;
	s5 =	simm.s32 $0xFFFFFFFF;
	p2 =	slt.u32 s8, $0xFFFFF086  }
0x1c: {  	p1 =	slt.u32 s9, $0xF7A;
	s5 =	simm.s32 @!p2 $0x0  }
0x1d: {  	s5 =	simm.s32 @p1 $0x1;
	p0 =	seq.s32 s7, s2  }
0x1e: {  	s7 =	smul.u32 @!p0 $0xF7A, s2;
	p2 =	seq.s32 @!p0 s5, $0x0  }
0x1f: {  	s9 =	smul.u32 $0xF7A, s1;
	s8 =	simm.s32 @!p0 $0x1BF5;
	p2 =	por !p2, p0  }
0x20: {  	[sflag:s8] =	ssyncset.s32 @!p0 $0xFFFFF086;
	s6 =	sadd.s32 @!p0 s3, s7;
	s7 =	simm.s32 @!p0 $0x108  }
0x21: {  	s3 =	sadd.s32 s3, s9;
	s6 =	sadd.s32 @!p0 $0x88, s6;
	s7 =	simm.s32 @p2 $0x1082  }
0x22: {  	[simem:s7], [sflag:s8] =	dma.local @!p0 [hbm:s6], $0xF7A  }
0x23: {  	s9 =	sor.u32 $0xD0000000, s2;
	s6 =	simm.s32 $0x108;
	_ =	swait.ge @!p0 [sflag:s8], $0x0  }
0x24: {  	s3 =	sadd.s32 $0x88, s3;
	s6 =	simm.s32 @!p1 $0x1082;
	[sflag:s4] =	ssyncset.s32 $0xFFFFF086  }
0x25: {  	[simem:s6], [sflag:s4] =	dma.local [hbm:s3], $0xF7A  }
0x26: {  	[smem:$0x3F9B] =	sst s1;
	(tag) =	ssettag s2;
	_ =	strace s9  }
0x27: {  	s1 =	sld [smem:$0x3FAB]  }
0x28: {  	s2 =	sld [smem:$0x3FAC]  }
0x29: {  	s4 =	sld [smem:$0x3FAE]  }
0x2a: {  	p0 =	seq.s32 s5, $0x0;
	s5 =	sld [smem:$0x3FAF]  }
0x2b: {  	s6 =	sld [smem:$0x3FB0]  }
0x2c: {  	s7 =	sld [smem:$0x3FB1]  }
0x2d: {  	s3 =	simm.s32 $0x108;
	s8 =	sld [smem:$0x3FB2]  }
0x2e: {  	s3 =	simm.s32 @!p0 $0x1082;
	s9 =	sld [smem:$0x3FB3]  }
0x2f: {  	lr =	sadd.s32 s0, s3;
	s0 =	sld [smem:$0x3FAA]  }
0x30: {  	s3 =	sld [smem:$0x3FAD]  }
0x31: {  	[smem:$0x3FB6] =	sst s10  }
0x32: {  	s10 =	sld [smem:$0x3FB4];
	_ =	sdelay $0x3  }
0x33: {  	p0 =	seq.s32 s10, $0x1;
	s10 =	sld [smem:$0x3FB6];
	_ =	sdelay $0x3  }
0x34: {  	[smem:$0x3FB6] =	sst s10  }
0x35: {  	s10 =	sld [smem:$0x3FB5];
	_ =	sdelay $0x3  }
0x36: {  	p1 =	seq.s32 s10, $0x1;
	s10 =	sld [smem:$0x3FB6];
	_ =	sdelay $0x3  }
0x37: {  	[smem:$0x3FB6] =	sst s10  }
0x38: {  	s10 =	sld [smem:$0x3FB7]  }
0x39: {  	_ = 	snop;
	(pc) =	sbr.ind lr, $3  }
0x3a: {  	_ = 	snop  }
0x3b: {  	_ = 	snop  }
0x3c: {  	p2 =	seq.s32 s10, $0x1;
	s10 =	sld [smem:$0x3FB6]  }
0x3d: {  	_ =	shalt  }
0x3e: {  	_ =	shalt  }
0x3f: {  	_ =	shalt  }
0x40: {  	_ =	shalt  }
0x41: {  	_ =	shalt  }
0x42: {  	_ =	shalt  }
0x43: {  	_ =	shalt  }
0x44: {  	_ =	shalt  }
0x45: {  	_ =	shalt  }
0x46: {  	_ =	shalt  }
0x47: {  	_ =	shalt  }
0x48: {  	_ =	shalt  }
0x49: {  	_ =	shalt  }
0x4a: {  	_ =	shalt  }
0x4b: {  	_ =	shalt  }
0x4c: {  	_ =	shalt  }
0x4d: {  	_ =	shalt  }
0x4e: {  	_ =	shalt  }
0x4f: {  	_ =	shalt  }
0x50: {  	_ =	shalt  }
0x51: {  	_ =	shalt  }
0x52: {  	_ =	shalt  }
0x53: {  	_ =	shalt  }
0x54: {  	_ =	shalt  }
0x55: {  	_ =	shalt  }
0x56: {  	_ =	shalt  }
0x57: {  	_ =	shalt  }
0x58: {  	_ =	shalt  }
0x59: {  	_ =	shalt  }
0x5a: {  	_ =	shalt  }
0x5b: {  	_ =	shalt  }
0x5c: {  	_ =	shalt  }
0x5d: {  	_ =	shalt  }
0x5e: {  	_ =	shalt  }
0x5f: {  	_ =	shalt  }
0x60: {  	_ =	shalt  }
0x61: {  	_ =	shalt  }
0x62: {  	_ =	shalt  }
0x63: {  	_ =	shalt  }
0x64: {  	_ =	shalt  }
0x65: {  	_ =	shalt  }
0x66: {  	_ =	shalt  }
0x67: {  	_ =	shalt  }
0x68: {  	_ =	shalt  }
0x69: {  	_ =	shalt  }
0x6a: {  	_ =	shalt  }
0x6b: {  	_ =	shalt  }
0x6c: {  	_ =	shalt  }
0x6d: {  	_ =	shalt  }
0x6e: {  	_ =	shalt  }
0x6f: {  	_ =	shalt  }
0x70: {  	_ =	shalt  }
0x71: {  	_ =	shalt  }
0x72: {  	_ =	shalt  }
0x73: {  	_ =	shalt  }
0x74: {  	_ =	shalt  }
0x75: {  	_ =	shalt  }
0x76: {  	_ =	shalt  }
0x77: {  	_ =	shalt  }
0x78: {  	_ =	shalt  }
0x79: {  	_ =	shalt  }
0x7a: {  	_ =	shalt  }
0x7b: {  	_ =	shalt  }
0x7c: {  	_ =	shalt  }
0x7d: {  	_ =	shalt  }
0x7e: {  	_ =	shalt  }
0x7f: {  	_ =	shalt  }
0x80: {  	_ =	shalt  }
0x81: {  	_ =	shalt  }
0x82: {  	_ =	shalt  }
0x83: {  	_ =	shalt  }
0x84: {  	_ =	shalt  }
0x85: {  	_ =	shalt  }
0x86: {  	_ =	shalt  }
0x87: {  	_ =	shalt  }
.Lfunc_end0:
.L_simem_size_0:
called_computation_lowered:
.L_overlay_start_0:
0x88: {  	s2 =	sld [smem:$0x3FD9]  }
0x89: {  	s3 =	sld [smem:$0x3FFE];
	_ =	sdelay $0x1  }
0x8a: {  	s1 =	srdreg.scid  }
0x8b: {  	s0 =	sand.u32 $0x1, s1  }
0x8c: {  	s17 =	sshll.u32 s0, $0xA;
	s2 =	sadd.s32 s3, s2  }
0x8d: {  	s2 =	sadd.s32 s2, s17  }
0x8e: {  	[smem:$0x3FC2] =	sst s2  }
0x8f: {  	_ = 	snop  }
0x90: {  	s2 =	sld [smem:$0x3FC9]  }
0x91: {  	s18 =	sld [smem:$0x3FC8]  }
0x92: {  	s4 =	sld [smem:$0x3FD0];
	(tm) =	ssettm $0x1  }
0x93: {  	s5 =	sld [smem:$0x3FFB];
	_ =	sdelay $0x3  }
0x94: {  	_ =	strace s5  }
0x95: {  	s5 =	sld [smem:$0x3FFC];
	_ =	sdelay $0x3  }
0x96: {  	_ =	strace s5  }
0x97: {  	s5 =	sld [smem:$0x3FFD];
	_ =	sdelay $0x3  }
0x98: {  	_ =	strace s5  }
0x99: {  	_ =	strace $0x8FFFFFFF  }
0x9a: {  	s19 =	sld [smem:$0x3FDB];
	_ =	sdelay $0x1  }
0x9b: {  	s6 =	simm.s32 $_scs_section_size  }
0x9c: {  	s7 =	simm.s32 $_size__tile_overlayer_lowered;
	s8 =	simm.s32 $_tile_overlayer_lowered  }
0x9d: {  	s22 =	simm.s32 $0x1BFF;
	s21 =	sshll.u32 s8, $0x1;
	s5 =	sadd.s32 s6, s19  }
0x9e: {  	s9 =	simm.s32 $0x0;
	s20 =	sshll.u32 s7, $0x1;
	s7 =	sadd.s32 s21, s5  }
0x9f: {  	[timem:s9], [sflag:s22] =	dma.local [hbm:s7], s20  }
0xa0: {  	_ =	swait.ge [sflag:s22], s20  }
0xa1: {  	s6 =	ssub.s32 $0x0, s20;
	[sflag:s22] =	ssyncset.done $0x0  }
0xa2: {  	[sflag:s22] =	ssyncadd.s32 s6;
	_ =	sdelay $0x1  }
0xa3: {  	s23 =	simm.s32 $0x1B8B  }
0xa4: {  	_ =	swait.ge [sflag:s23], $0x1  }
0xa5: {  	[sflag:s23] =	ssyncset.done $0x0  }
0xa6: {  	s25 =	simm.s32 $0x1B8E;
	s24 =	sld [smem:$0x3FFE];
	[sflag:s23] =	ssyncadd.s32 $0xFFFFFFFF  }
0xa7: {  	s26 =	simm.s32 $execute0_lowered;
	[smem:$0x3FD2] =	sst s25  }
0xa8: {  	s7 =	sshll.u32 s26, $0x1;
	_ =	strace $0x80000046;
	[dreg:$0x1] =	wrdreg $0xFFFFFFFF  }
0xa9: {  	s28 =	simm.s32 $_size_execute0_lowered;
	s5 =	sadd.s32 s5, s7;
	[dreg:$0x0] =	wrdreg $0x0  }
0xaa: {  	s7 =	sshll.u32 s28, $0x1;
	[dreg:$0x2] =	wrdreg s5  }
0xab: {  	[dreg:$0x3] =	wrdreg s7  }
0xac: {  	[dreg:$0x4] =	wrdreg $0xC0  }
0xad: {  	_ =	task [dreg:s9], $0x5FFFF  }
0xae: {  	[dreg:$0x1] =	wrdreg $0xFFFFFFFF  }
0xaf: {  	[dreg:$0x0] =	wrdreg $0x60  }
0xb0: {  	[dreg:$0x2] =	wrdreg s2  }
0xb1: {  	[dreg:$0x3] =	wrdreg s18  }
0xb2: {  	[dreg:$0x4] =	wrdreg s24  }
0xb3: {  	[dreg:$0x5] =	wrdreg s4  }
0xb4: {  	[dreg:$0x6] =	wrdreg $0x9  }
0xb5: {  	_ =	task.clear_ibuf [dreg:s9], $0x7FFFF;
	_ =	strace $0x90000046  }
0xb6: {  	s29 =	simm.s32 $0x9;
	_ =	strace $0x80000048  }
0xb7: {  	_ =	swait.ge [sflag:s29], $0x1  }
0xb8: {  	[sflag:s29] =	ssyncadd.s32 $0xFFFFFFFF  }
0xb9: {  	_ =	strace $0x90000048  }
0xba: {  	_ =	sfence  }
0xbb: {  	s30 =	sld [smem:$0x0];
	_ =	sdelay $0x2  }
0xbc: {  	s31 =	sshll.u32 s1, $0xD;
	s1 =	sshrl.u32 s1, $0x2  }
0xbd: {  	s3 =	sand.u32 $0x4000, s31;
	s1 =	sadd.s32 s1, s30  }
0xbe: {  	s0 =	sor.u32 s3, s0;
	s1 =	sshll.u32 s1, $0x11  }
0xbf: {  	s0 =	sor.u32 s1, s0  }
0xc0: {  	s0 =	sadd.s32 $0x8F2B, s0  }
0xc1: {  	[sflag:s0] =	ssyncadd.remote.s32 $0x1  }
0xc2: {  	_ =	sfence.sel $0xFFFF  }
0xc3: {  	[dreg:$0x0] =	wrdreg $0xFFFFFFFF;
	(pc) =	sbr.abs _section_cstart, $3  }
0xc4: {  	[dreg:$0x1] =	wrdreg $0xFFFFFFFF  }
0xc5: {  	_ =	task.clear_ibuf [dreg:s9], $0x2FFFF;
	_ =	strace $0x9FFFFFFF  }
0xc6: {  	(tm) =	ssettm $0x7FFFFFFF  }
0xc7: {  	_ =	shalt  }
tec
execute0_lowered:
.L_overlay_start_1:
0x0: {  	(tag) =	ssettag $0x1  }
0x1: {  	vm0 =	vcmask $0xB08  }
0x2: {  	vm1 =	vcmask $0x300;
	v0 =	vimm.s32 $0xEFCDAB89;
	v1 =	vimm.s32 $0x67452301  }
0x3: {  	v2 =	vimm.s32 $0xDCFE98BA;
	v3 =	vimm.s32 $0xBA98FEDC;
	v4 =	vimm.s32 $0x32107654  }
0x4: {  	s0 =	rddreg [dreg:$0x0];
	vm2 =	vcmask $0x700;
	vm0 =	vmor vm1, vm0;
	vm1 =	vcmask $0x1310  }
0x5: {  	s3 =	rddreg [dreg:$0x1];
	v0 =	vunpack.c.l.s4.s8 v0;
	v1 =	vunpack.c.l.s4.s8 v1;
	v3 =	vunpack.c.l.s4.s8 v3  }
0x6: {  	s1 =	rddreg [dreg:$0x2];
	v4 =	vunpack.c.l.s4.s8 v4;
	vm0 =	vmor vm0, vm1;
	vm1 =	vcmask $0x1B18  }
0x7: {  	s15 =	rddreg [dreg:$0x3];
	vm0 =	vmor vm0, vm1;
	v0 =	vunpack.c.0.s8.s32 v0;
	v1 =	vunpack.c.0.s8.s32 v1  }
0x8: {  	s2 =	simm.s32 $0x0;
	s5 =	srdreg.scid;
	s6 =	stileid.u32;
	vm1 =	vcmask $0x2320;
	v3 =	vunpack.c.0.s8.s32 v3;
	v4 =	vunpack.c.0.s8.s32 v4  }
0x9: {  	s18 =	simm.s32 $0x200;
	s19 =	simm.s32 $0x80;
	s20 =	simm.s32 $0x280;
	v0 =	vcombine.low v1, v0;
	v1 =	vunpack.c.l.s4.s8 v2;
	v2 =	vimm.s32 $0x54761032  }
0xa: {  	s21 =	simm.s32 $0x100;
	s22 =	simm.s32 $0x300;
	s23 =	simm.s32 $0x180;
	vm0 =	vmor vm0, vm1;
	vm1 =	vcmask $0x2B28;
	v2 =	vunpack.c.l.s4.s8 v2  }
0xb: {  	s24 =	simm.s32 $0x380;
	vm3 =	vcmask $0xF00;
	s25 =	simm.s32 $0x1;
	s26 =	simm.s32 $0x8800;
	vm0 =	vmor vm0, vm1;
	vm1 =	vcmask $0x3330  }
0xc: {  	s28 =	simm.s32 $0x0;
	[smem:$0x7FF] =	sst s2;
	s4 =	sadd.s32 $0x1312E00, s1;
	v3 =	vcombine.low v4, v3;
	v1 =	vunpack.c.0.s8.s32 v1;
	v2 =	vunpack.c.0.s8.s32 v2  }
0xd: {  	s5 =	sand.u32 $0x1, s5;
	s6 =	sshll.u32 s6, $0x7;
	_ =	strace $0x80000047;
	v4 =	vimm.s32 $0x76543210;
	vm0 =	vmor vm0, vm1;
	vm1 =	vcmask $0x3B38  }
0xe: {  	s7 =	ssub.s32 $0x2, s5;
	s8 =	sshll.u32 s5, $0x6;
	s5 =	sadd.s32 $0xF42400, s1;
	v4 =	vunpack.c.l.s4.s8 v4;
	v1 =	vcombine.low v2, v1;
	v2 =	vimm.s32 $0xFEDCBA98  }
0xf: {  	s9 =	sshrl.u32 s7, $0x1;
	s16 =	sor.u32 s8, s6;
	s6 =	sadd.s32 $0x1EA00, s1;
	vm0 =	vmor vm0, vm1;
	vm1 =	vcmask $0x1710;
	v2 =	vunpack.c.l.s4.s8 v2  }
0x10: {  	s17 =	ssub.s32 s7, s9;
	s10 =	sor.u32 $0x10, s16;
	s7 =	sadd.s32 s0, s16;
	v0 =	vand.u32 $0xF, v0;
	vm1 =	vmor vm2, vm1;
	vm2 =	vcmask $0x2720  }
0x11: {  	s8 =	sadd.s32 s3, s16;
	s12 =	sor.u32 $0x20, s16;
	s14 =	sor.u32 $0x30, s16;
	vm1 =	vmor vm1, vm2;
	vm2 =	vcmask $0x3730;
	v2 =	vunpack.c.0.s8.s32 v2  }
0x12: {  	s15 =	sadd.s32 s15, s16;
	s9 =	sadd.s32 s0, s10;
	s10 =	sadd.s32 s3, s10;
	v4 =	vunpack.c.0.s8.s32 v4;
	vm1 =	vmor vm1, vm2;
	vm2 =	vcmask $0x2F20  }
0x13: {  	s11 =	sadd.s32 s0, s12;
	s12 =	sadd.s32 s3, s12;
	s13 =	sadd.s32 s0, s14;
	vm2 =	vmor vm3, vm2;
	vm3 =	vmmov $0xff;
	v5 =	vand.u32 $0xF, v2  }
0x14: {  	s14 =	sadd.s32 s3, s14;
	s16 =	smax.u32 s17, $0x1;
	s17 =	simm.s32 $0x2;
	v1 =	vand.u32 $0xF, v1;
	v2 =	vand.u32 $0xF, v3;
	v3 =	vcombine.low v5, v4  }
.LBB2_1:
0x15: {  	[tilespmem:s2], [sflag:$0x2] =	stream.linear.gather [hbm4b:s7+s2], $0x80, $0x38;
	[tilespmem:$0x8A00] =	vst v63  }
0x16: {  	_ =	swait.ge [sflag:s17], $0x80  }
0x17: {  	[sflag:s17] =	ssyncset.done $0x0  }
0x18: {  	[sflag:s17] =	ssyncadd.s32 $0xFFFFFF80  }
0x19: {  	[tilespmem:s18], [sflag:$0x2] =	stream.linear.gather [hbm4b:s8+s2], $0x80, $0x38;
	[tilespmem:$0x8A00] =	vst v63  }
0x1a: {  	_ =	swait.ge [sflag:s17], $0x80  }
0x1b: {  	[sflag:s17] =	ssyncset.done $0x0  }
0x1c: {  	[sflag:s17] =	ssyncadd.s32 $0xFFFFFF80  }
0x1d: {  	[tilespmem:s19], [sflag:$0x2] =	stream.linear.gather [hbm4b:s9+s2], $0x80, $0x38;
	[tilespmem:$0x8A00] =	vst v63  }
0x1e: {  	_ =	swait.ge [sflag:s17], $0x80  }
0x1f: {  	[sflag:s17] =	ssyncset.done $0x0  }
0x20: {  	[sflag:s17] =	ssyncadd.s32 $0xFFFFFF80  }
0x21: {  	[tilespmem:s20], [sflag:$0x2] =	stream.linear.gather [hbm4b:s10+s2], $0x80, $0x38;
	[tilespmem:$0x8A00] =	vst v63  }
0x22: {  	_ =	swait.ge [sflag:s17], $0x80  }
0x23: {  	[sflag:s17] =	ssyncset.done $0x0  }
0x24: {  	[sflag:s17] =	ssyncadd.s32 $0xFFFFFF80  }
0x25: {  	[tilespmem:s21], [sflag:$0x2] =	stream.linear.gather [hbm4b:s11+s2], $0x80, $0x38;
	[tilespmem:$0x8A00] =	vst v63  }
0x26: {  	_ =	swait.ge [sflag:s17], $0x80  }
0x27: {  	[sflag:s17] =	ssyncset.done $0x0  }
0x28: {  	[sflag:s17] =	ssyncadd.s32 $0xFFFFFF80  }
0x29: {  	[tilespmem:s22], [sflag:$0x2] =	stream.linear.gather [hbm4b:s12+s2], $0x80, $0x38;
	[tilespmem:$0x8A00] =	vst v63  }
0x2a: {  	_ =	swait.ge [sflag:s17], $0x80  }
0x2b: {  	[sflag:s17] =	ssyncset.done $0x0  }
0x2c: {  	[sflag:s17] =	ssyncadd.s32 $0xFFFFFF80  }
0x2d: {  	[tilespmem:s23], [sflag:$0x2] =	stream.linear.gather [hbm4b:s13+s2], $0x80, $0x38;
	[tilespmem:$0x8A00] =	vst v63  }
0x2e: {  	_ =	swait.ge [sflag:s17], $0x80  }
0x2f: {  	[sflag:s17] =	ssyncset.done $0x0  }
0x30: {  	[sflag:s17] =	ssyncadd.s32 $0xFFFFFF80  }
0x31: {  	[tilespmem:s24], [sflag:$0x2] =	stream.linear.gather [hbm4b:s14+s2], $0x80, $0x38;
	[tilespmem:$0x8A00] =	vst v63  }
0x32: {  	_ =	swait.ge [sflag:s17], $0x80  }
0x33: {  	[sflag:s17] =	ssyncset.done $0x0  }
0x34: {  	s0 =	simm.s32 $0x400;
	[sflag:s17] =	ssyncadd.s32 $0xFFFFFF80  }
0x35: {  	[tilespmem:s0], [sflag:$0x1] =	stream.indirect.gather [hbm4b:s4+s19], $0x20, s2, s19, $0xb8;
	[tilespmem:$0x8A00] =	vst v63  }
0x36: {  	s3 =	simm.s32 $0x4400  }
0x37: {  	[tilespmem:s3], [sflag:$0x1] =	stream.indirect.gather [hbm4b:s5+s19], $0x20, s18, s19, $0xb8;
	[tilespmem:$0x8A00] =	vst v63  }
0x38: {  	s3 =	simm.s32 $0x8400  }
0x39: {  	[tilespmem:s3], [sflag:$0x1] =	stream.indirect.gather [hbm4b:s6+s19], $0x1, s2, s19, $0xb8;
	[tilespmem:$0x8A00] =	vst v63  }
0x3a: {  	s3 =	simm.s32 $0x8600  }
0x3b: {  	[tilespmem:s3], [sflag:$0x1] =	stream.indirect.gather [hbm4b:s1+s19], $0x1, s18, s19, $0xb8;
	[tilespmem:$0x8A00] =	vst v63  }
0x3c: {  	s3 =	simm.s32 $0x1400  }
0x3d: {  	[tilespmem:s3], [sflag:$0x1] =	stream.indirect.gather [hbm4b:s4+s19], $0x20, s19, s19, $0xb8;
	[tilespmem:$0x8A00] =	vst v63  }
0x3e: {  	s3 =	simm.s32 $0x5400  }
0x3f: {  	[tilespmem:s3], [sflag:$0x1] =	stream.indirect.gather [hbm4b:s5+s19], $0x20, s20, s19, $0xb8;
	[tilespmem:$0x8A00] =	vst v63  }
0x40: {  	s3 =	simm.s32 $0x8480  }
0x41: {  	[tilespmem:s3], [sflag:$0x1] =	stream.indirect.gather [hbm4b:s6+s19], $0x1, s19, s19, $0xb8;
	[tilespmem:$0x8A00] =	vst v63  }
0x42: {  	s3 =	simm.s32 $0x8680  }
0x43: {  	[tilespmem:s3], [sflag:$0x1] =	stream.indirect.gather [hbm4b:s1+s19], $0x1, s20, s19, $0xb8;
	[tilespmem:$0x8A00] =	vst v63  }
0x44: {  	s3 =	simm.s32 $0x2400  }
0x45: {  	[tilespmem:s3], [sflag:$0x1] =	stream.indirect.gather [hbm4b:s4+s19], $0x20, s21, s19, $0xb8;
	[tilespmem:$0x8A00] =	vst v63  }
0x46: {  	s3 =	simm.s32 $0x6400  }
0x47: {  	[tilespmem:s3], [sflag:$0x1] =	stream.indirect.gather [hbm4b:s5+s19], $0x20, s22, s19, $0xb8;
	[tilespmem:$0x8A00] =	vst v63  }
0x48: {  	s3 =	simm.s32 $0x8500  }
0x49: {  	[tilespmem:s3], [sflag:$0x1] =	stream.indirect.gather [hbm4b:s6+s19], $0x1, s21, s19, $0xb8;
	[tilespmem:$0x8A00] =	vst v63  }
0x4a: {  	s3 =	simm.s32 $0x8700  }
0x4b: {  	[tilespmem:s3], [sflag:$0x1] =	stream.indirect.gather [hbm4b:s1+s19], $0x1, s22, s19, $0xb8;
	[tilespmem:$0x8A00] =	vst v63  }
0x4c: {  	s3 =	simm.s32 $0x3400  }
0x4d: {  	[tilespmem:s3], [sflag:$0x1] =	stream.indirect.gather [hbm4b:s4+s19], $0x20, s23, s19, $0xb8;
	[tilespmem:$0x8A00] =	vst v63  }
0x4e: {  	s3 =	simm.s32 $0x7400  }
0x4f: {  	[tilespmem:s3], [sflag:$0x1] =	stream.indirect.gather [hbm4b:s5+s19], $0x20, s24, s19, $0xb8;
	[tilespmem:$0x8A00] =	vst v63  }
0x50: {  	s3 =	simm.s32 $0x8580  }
0x51: {  	[tilespmem:s3], [sflag:$0x1] =	stream.indirect.gather [hbm4b:s6+s19], $0x1, s23, s19, $0xb8;
	[tilespmem:$0x8A00] =	vst v63  }
0x52: {  	s3 =	simm.s32 $0x8780  }
0x53: {  	[tilespmem:s3], [sflag:$0x1] =	stream.indirect.gather [hbm4b:s1+s19], $0x1, s24, s19, $0xb8;
	[tilespmem:$0x8A00] =	vst v63  }
0x54: {  	_ =	swait.ge [sflag:s25], $0x1000  }
0x55: {  	[sflag:s25] =	ssyncset.done $0x0  }
0x56: {  	[sflag:s25] =	ssyncadd.s32 $0xFFFFF000  }
0x57: {  	_ =	swait.ge [sflag:s25], $0x1000  }
0x58: {  	[sflag:s25] =	ssyncset.done $0x0  }
0x59: {  	[sflag:s25] =	ssyncadd.s32 $0xFFFFF000  }
0x5a: {  	_ =	swait.ge [sflag:s25], $0x80  }
0x5b: {  	[sflag:s25] =	ssyncset.done $0x0  }
0x5c: {  	[sflag:s25] =	ssyncadd.s32 $0xFFFFFF80  }
0x5d: {  	_ =	swait.ge [sflag:s25], $0x80  }
0x5e: {  	[sflag:s25] =	ssyncset.done $0x0  }
0x5f: {  	[sflag:s25] =	ssyncadd.s32 $0xFFFFFF80  }
0x60: {  	_ =	swait.ge [sflag:s25], $0x1000  }
0x61: {  	[sflag:s25] =	ssyncset.done $0x0  }
0x62: {  	[sflag:s25] =	ssyncadd.s32 $0xFFFFF000  }
0x63: {  	_ =	swait.ge [sflag:s25], $0x1000  }
0x64: {  	[sflag:s25] =	ssyncset.done $0x0  }
0x65: {  	[sflag:s25] =	ssyncadd.s32 $0xFFFFF000  }
0x66: {  	_ =	swait.ge [sflag:s25], $0x80  }
0x67: {  	[sflag:s25] =	ssyncset.done $0x0  }
0x68: {  	[sflag:s25] =	ssyncadd.s32 $0xFFFFFF80  }
0x69: {  	_ =	swait.ge [sflag:s25], $0x80  }
0x6a: {  	[sflag:s25] =	ssyncset.done $0x0  }
0x6b: {  	[sflag:s25] =	ssyncadd.s32 $0xFFFFFF80  }
0x6c: {  	_ =	swait.ge [sflag:s25], $0x1000  }
0x6d: {  	[sflag:s25] =	ssyncset.done $0x0  }
0x6e: {  	[sflag:s25] =	ssyncadd.s32 $0xFFFFF000  }
0x6f: {  	_ =	swait.ge [sflag:s25], $0x1000  }
0x70: {  	[sflag:s25] =	ssyncset.done $0x0  }
0x71: {  	[sflag:s25] =	ssyncadd.s32 $0xFFFFF000  }
0x72: {  	_ =	swait.ge [sflag:s25], $0x80  }
0x73: {  	[sflag:s25] =	ssyncset.done $0x0  }
0x74: {  	[sflag:s25] =	ssyncadd.s32 $0xFFFFFF80  }
0x75: {  	_ =	swait.ge [sflag:s25], $0x80  }
0x76: {  	[sflag:s25] =	ssyncset.done $0x0  }
0x77: {  	[sflag:s25] =	ssyncadd.s32 $0xFFFFFF80  }
0x78: {  	_ =	swait.ge [sflag:s25], $0x1000  }
0x79: {  	[sflag:s25] =	ssyncset.done $0x0  }
0x7a: {  	[sflag:s25] =	ssyncadd.s32 $0xFFFFF000  }
0x7b: {  	_ =	swait.ge [sflag:s25], $0x1000  }
0x7c: {  	[sflag:s25] =	ssyncset.done $0x0  }
0x7d: {  	[sflag:s25] =	ssyncadd.s32 $0xFFFFF000  }
0x7e: {  	_ =	swait.ge [sflag:s25], $0x80  }
0x7f: {  	[sflag:s25] =	ssyncset.done $0x0  }
0x80: {  	[sflag:s25] =	ssyncadd.s32 $0xFFFFFF80  }
0x81: {  	_ =	swait.ge [sflag:s25], $0x80  }
0x82: {  	[sflag:s25] =	ssyncset.done $0x0  }
0x83: {  	s29 =	simm.s32 $0x4500;
	[sflag:s25] =	ssyncadd.s32 $0xFFFFFF80  }
0x84: {  	s30 =	simm.s32 $0x500;
	v7 =	vld [tilespmem:s29+$0xF0]  }
0x85: {  	v8 =	vld [tilespmem:s30+$0xF0]  }
0x86: {  	v9 =	vld [tilespmem:s29+$0xE0]  }
0x87: {  	v10 =	vld [tilespmem:s30+$0xE0]  }
0x88: {  	v11 =	vld [tilespmem:s29+$0xD0]  }
0x89: {  	v12 =	vld [tilespmem:s30+$0xD0]  }
0x8a: {  	v13 =	vld [tilespmem:s29+$0xC0]  }
0x8b: {  	v14 =	vld [tilespmem:s30+$0xC0]  }
0x8c: {  	v15 =	vld [tilespmem:s29+$0xB0]  }
0x8d: {  	v16 =	vld [tilespmem:s30+$0xB0]  }
0x8e: {  	v17 =	vld [tilespmem:s29+$0xA0]  }
0x8f: {  	v18 =	vld [tilespmem:s30+$0xA0]  }
0x90: {  	v19 =	vld [tilespmem:s29+$0x90]  }
0x91: {  	v20 =	vld [tilespmem:s30+$0x90]  }
0x92: {  	v21 =	vld [tilespmem:s29+$0x80]  }
0x93: {  	v22 =	vld [tilespmem:s30+$0x80]  }
0x94: {  	v23 =	vld [tilespmem:s29+$0x70]  }
0x95: {  	v24 =	vld [tilespmem:s30+$0x70]  }
0x96: {  	v25 =	vld [tilespmem:s29+$0x60]  }
0x97: {  	v26 =	vld [tilespmem:s30+$0x60]  }
0x98: {  	v27 =	vld [tilespmem:s29+$0x50]  }
0x99: {  	v28 =	vld [tilespmem:s30+$0x50]  }
0x9a: {  	v29 =	vld [tilespmem:s29+$0x40]  }
0x9b: {  	v30 =	vld [tilespmem:s30+$0x40]  }
0x9c: {  	v31 =	vld [tilespmem:s29+$0x30]  }
0x9d: {  	v32 =	vld [tilespmem:s30+$0x30]  }
0x9e: {  	v33 =	vld [tilespmem:s29+$0x20]  }
0x9f: {  	v34 =	vld [tilespmem:s30+$0x20]  }
0xa0: {  	v35 =	vld [tilespmem:s29+$0x10]  }
0xa1: {  	v36 =	vld [tilespmem:s30+$0x10]  }
0xa2: {  	v37 =	vld [tilespmem:s29+$0x0]  }
0xa3: {  	v38 =	vld [tilespmem:s30+$0x0]  }
0xa4: {  	v4 =	vld [tilespmem:s30+$0xFFFFFFF0]  }
0xa5: {  	v39 =	vld [tilespmem:s29+$0xFFFFFFE0]  }
0xa6: {  	v40 =	vld [tilespmem:s30+$0xFFFFFFE0]  }
0xa7: {  	v41 =	vld [tilespmem:s29+$0xFFFFFFD0]  }
0xa8: {  	v42 =	vld [tilespmem:s30+$0xFFFFFFD0]  }
0xa9: {  	v5 =	vld [tilespmem:s29+$0xFFFFFFC0]  }
0xaa: {  	v6 =	vld [tilespmem:s30+$0xFFFFFFC0]  }
0xab: {  	v43 =	vld [tilespmem:s29+$0xFFFFFFB0]  }
0xac: {  	v44 =	vld [tilespmem:s30+$0xFFFFFFB0]  }
0xad: {  	v45 =	vld [tilespmem:s29+$0xFFFFFFA0]  }
0xae: {  	v46 =	vld [tilespmem:s30+$0xFFFFFFA0]  }
0xaf: {  	v47 =	vld [tilespmem:s29+$0xFFFFFF90]  }
0xb0: {  	v48 =	vld [tilespmem:s30+$0xFFFFFF90]  }
0xb1: {  	v49 =	vld [tilespmem:s29+$0xFFFFFF80]  }
0xb2: {  	v50 =	vld [tilespmem:s30+$0xFFFFFF80];
	v10 =	vmul.f32 v9, v10  }
0xb3: {  	v7 =	vmul.f32 v7, v8;
	v8 =	vmul.f32 v13, v14;
	v9 =	vld [tilespmem:s29+$0xFFFFFF70]  }
0xb4: {  	v11 =	vmul.f32 v11, v12;
	v13 =	vmul.f32 v17, v18;
	v12 =	vld [tilespmem:s30+$0xFFFFFF70]  }
0xb5: {  	v14 =	vmul.f32 v15, v16;
	v16 =	vmul.f32 v19, v20;
	v19 =	vld [tilespmem:s29+$0xFFFFFF30]  }
0xb6: {  	v15 =	vmul.f32 v21, v22;
	v21 =	vmul.f32 v25, v26;
	v22 =	vld [tilespmem:s30+$0xFFFFFF30]  }
0xb7: {  	v23 =	vmul.f32 v23, v24;
	v25 =	vmul.f32 v27, v28;
	v28 =	vld [tilespmem:s29+$0xFFFFFF00]  }
0xb8: {  	v24 =	vmul.f32 v29, v30;
	v8 =	vadd.f32 v11, v8;
	v7 =	vadd.f32 v7, v10;
	v10 =	vld [tilespmem:s29+$0xFFFFFF60]  }
0xb9: {  	v26 =	vmul.f32 v33, v34;
	v11 =	vadd.f32 v16, v15;
	v15 =	vadd.f32 v14, v13;
	v13 =	vld [tilespmem:s30+$0xFFFFFF60]  }
0xba: {  	v27 =	vmul.f32 v31, v32;
	v30 =	vmul.f32 v41, v42;
	v14 =	vld [tilespmem:s29+$0xFFFFFF50];
	v31 =	vadd.f32 v23, v21  }
0xbb: {  	v21 =	vld [tilespmem:s29+$0xFFFFFF20];
	v16 =	vsel vm0, v15, v11;
	v17 =	vsel vm0, v7, v8;
	v7 =	vsel vm0, v8, v7  }
0xbc: {  	v23 =	vld [tilespmem:s30+$0xFFFFFF20];
	v8 =	vsel vm0, v11, v15;
	v11 =	vmul.f32 v37, v38;
	v15 =	vmul.f32 v35, v36  }
0xbd: {  	v33 =	vmul.f32 v45, v46;
	v29 =	vadd.f32 v25, v24;
	v26 =	vadd.f32 v27, v26;
	v25 =	vld [tilespmem:s29+$0xFFFFFF10]  }
0xbe: {  	v27 =	vld [tilespmem:s30+$0xFFFFFF10];
	v20 =	vperm.xlane v16, v0;
	v18 =	vperm.xlane v17, v0;
	v36 =	vadd.f32 v15, v11  }
0xbf: {  	v32 =	vmul.f32 v49, v50;
	v34 =	vmul.f32 v47, v48;
	v24 =	vsel vm0, v31, v29;
	v16 =	vld [tilespmem:s30+$0xFFFFFF50]  }
0xc0: {  	v17 =	vld [tilespmem:s29+$0xFFFFFF40];
	v7 =	vadd.f32 v18, v7;
	v8 =	vadd.f32 v20, v8;
	v15 =	vsel vm0, v26, v36  }
0xc1: {  	v31 =	vsel vm0, v29, v31;
	v18 =	vld [tilespmem:s30+$0xFFFFFF40];
	v20 =	vperm.xlane v15, v0;
	v15 =	vperm.xlane v24, v0  }
0xc2: {  	v29 =	vld [tilespmem:s30+$0xFFFFFF00];
	v35 =	vmul.f32 v43, v44;
	v26 =	vsel vm0, v36, v26;
	v11 =	vsel vm1, v7, v8  }
0xc3: {  	s31 =	simm.s32 $0x0;
	s0 =	simm.s32 $0x40;
	v24 =	vmul.f32 v39, v40;
	v11 =	vperm.xlane v11, v1;
	v15 =	vadd.f32 v15, v31;
	v31 =	vld [tilespmem:s29+$0xFFFFFFF0]  }
.LBB2_2:
0xc4: {  	p0 =	sne.s32 s0, $0x7C0;
	v9 =	vmul.f32 v9, v12;
	v12 =	vadd.f32 v35, v33;
	v5 =	vmul.f32 v5, v6  }
0xc5: {  	v6 =	vmul.f32 v14, v16;
	v10 =	vmul.f32 v10, v13;
	v13 =	vadd.f32 v34, v32  }
0xc6: {  	v14 =	vmul.f32 v19, v22;
	v16 =	vmul.f32 v17, v18;
	v5 =	vadd.f32 v30, v5  }
0xc7: {  	v18 =	vmul.f32 v21, v23;
	v17 =	vmul.f32 v25, v27;
	v19 =	vsel vm0, v12, v13  }
0xc8: {  	v9 =	vadd.f32 v9, v10;
	v21 =	vmul.f32 v28, v29;
	v4 =	vmul.f32 v31, v4  }
0xc9: {  	v10 =	vadd.f32 v14, v18;
	v6 =	vadd.f32 v6, v16;
	v14 =	vperm.xlane v19, v0  }
0xca: {  	v12 =	vsel vm0, v13, v12;
	v16 =	vadd.f32 v17, v21;
	v4 =	vadd.f32 v4, v24  }
0xcb: {  	v13 =	vsel vm0, v9, v6;
	v12 =	vadd.f32 v14, v12;
	v14 =	vadd.f32 v20, v26  }
0xcc: {  	v13 =	vperm.xlane v13, v0;
	v17 =	vsel vm0, v10, v16;
	v18 =	vsel vm0, v4, v5  }
0xcd: {  	v6 =	vsel vm0, v6, v9;
	v17 =	vperm.xlane v17, v0;
	v9 =	vperm.xlane v18, v0  }
0xce: {  	v10 =	vsel vm0, v16, v10;
	v6 =	vadd.f32 v13, v6;
	v4 =	vsel vm0, v5, v4  }
0xcf: {  	v7 =	vsel vm1, v8, v7;
	v5 =	vadd.f32 v17, v10;
	v4 =	vadd.f32 v9, v4  }
0xd0: {  	v7 =	vadd.f32 v11, v7;
	v8 =	vsel vm1, v15, v14  }
0xd1: {  	v8 =	vperm.xlane v8, v1;
	v9 =	vsel vm1, v6, v5;
	v10 =	vsel vm1, v4, v12  }
0xd2: {  	v11 =	vsel vm1, v14, v15;
	v9 =	vperm.xlane v9, v1;
	v10 =	vperm.xlane v10, v1  }
0xd3: {  	v5 =	vsel vm1, v5, v6;
	v6 =	vadd.f32 v8, v11;
	v4 =	vsel vm1, v12, v4  }
0xd4: {  	v5 =	vadd.f32 v9, v5;
	v4 =	vadd.f32 v10, v4;
	_ =	sdelay $0x1  }
0xd5: {  	v9 =	vsel vm2, v7, v6;
	v8 =	vsel vm2, v4, v5  }
0xd6: {  	v9 =	vperm.xlane v9, v2;
	v8 =	vperm.xlane v8, v2  }
0xd7: {  	v4 =	vsel vm2, v5, v4;
	v5 =	vsel vm2, v6, v7  }
0xd8: {  	v5 =	vadd.f32 v9, v5;
	v4 =	vadd.f32 v8, v4  }
0xd9: {  	s3 =	sshra.s32 s31, $0x2;
	s31 =	smov.u32 s0  }
0xda: {  	v6 =	vsel vm3, v5, v4;
	v7 =	vld [tilespmem:s3+$0x8400]  }
0xdb: {  	v6 =	vperm.xlane v6, v3  }
0xdc: {  	v4 =	vsel vm3, v4, v5;
	v5 =	vld [tilespmem:s3+$0x8600]  }
0xdd: {  	v4 =	vadd.f32 v4, v6;
	_ =	sdelay $0x1  }
0xde: {  	v4 =	vadd.f32 v4, v7;
	_ =	sdelay $0x1  }
0xdf: {  	v4 =	vadd.f32 v4, v5;
	_ =	sdelay $0x1  }
0xe0: {  	s29 =	sadd.s32 $0x200, s29;
	[tilespmem:s3+$0x8800] =	vst v4  }
0xe1: {  	s30 =	sadd.s32 $0x200, s30;
	v7 =	vld [tilespmem:s29+$0xF0]  }
0xe2: {  	v8 =	vld [tilespmem:s30+$0xF0]  }
0xe3: {  	v9 =	vld [tilespmem:s29+$0xE0]  }
0xe4: {  	v10 =	vld [tilespmem:s30+$0xE0]  }
0xe5: {  	v11 =	vld [tilespmem:s29+$0xD0]  }
0xe6: {  	v12 =	vld [tilespmem:s30+$0xD0]  }
0xe7: {  	v13 =	vld [tilespmem:s29+$0xC0]  }
0xe8: {  	v14 =	vld [tilespmem:s30+$0xC0]  }
0xe9: {  	v15 =	vld [tilespmem:s29+$0xB0]  }
0xea: {  	v16 =	vld [tilespmem:s30+$0xB0]  }
0xeb: {  	v17 =	vld [tilespmem:s29+$0xA0]  }
0xec: {  	v18 =	vld [tilespmem:s30+$0xA0]  }
0xed: {  	v19 =	vld [tilespmem:s29+$0x90]  }
0xee: {  	v20 =	vld [tilespmem:s30+$0x90]  }
0xef: {  	v21 =	vld [tilespmem:s29+$0x80]  }
0xf0: {  	v22 =	vld [tilespmem:s30+$0x80]  }
0xf1: {  	v23 =	vld [tilespmem:s29+$0x70]  }
0xf2: {  	v24 =	vld [tilespmem:s30+$0x70]  }
0xf3: {  	v25 =	vld [tilespmem:s29+$0x60]  }
0xf4: {  	v26 =	vld [tilespmem:s30+$0x60]  }
0xf5: {  	v27 =	vld [tilespmem:s29+$0x50]  }
0xf6: {  	v28 =	vld [tilespmem:s30+$0x50]  }
0xf7: {  	v29 =	vld [tilespmem:s29+$0x40]  }
0xf8: {  	v30 =	vld [tilespmem:s30+$0x40]  }
0xf9: {  	v31 =	vld [tilespmem:s29+$0x30]  }
0xfa: {  	v32 =	vld [tilespmem:s30+$0x30]  }
0xfb: {  	v33 =	vld [tilespmem:s29+$0x20]  }
0xfc: {  	v34 =	vld [tilespmem:s30+$0x20]  }
0xfd: {  	v35 =	vld [tilespmem:s29+$0x10]  }
0xfe: {  	v36 =	vld [tilespmem:s30+$0x10]  }
0xff: {  	v37 =	vld [tilespmem:s29+$0x0]  }
0x100: {  	v38 =	vld [tilespmem:s30+$0x0]  }
0x101: {  	v4 =	vld [tilespmem:s30+$0xFFFFFFF0]  }
0x102: {  	v39 =	vld [tilespmem:s29+$0xFFFFFFE0]  }
0x103: {  	v40 =	vld [tilespmem:s30+$0xFFFFFFE0]  }
0x104: {  	v41 =	vld [tilespmem:s29+$0xFFFFFFD0]  }
0x105: {  	v42 =	vld [tilespmem:s30+$0xFFFFFFD0]  }
0x106: {  	v5 =	vld [tilespmem:s29+$0xFFFFFFC0]  }
0x107: {  	v6 =	vld [tilespmem:s30+$0xFFFFFFC0]  }
0x108: {  	v43 =	vld [tilespmem:s29+$0xFFFFFFB0]  }
0x109: {  	v44 =	vld [tilespmem:s30+$0xFFFFFFB0]  }
0x10a: {  	v45 =	vld [tilespmem:s29+$0xFFFFFFA0]  }
0x10b: {  	v46 =	vld [tilespmem:s30+$0xFFFFFFA0]  }
0x10c: {  	v7 =	vmul.f32 v7, v8;
	v10 =	vmul.f32 v9, v10;
	v47 =	vld [tilespmem:s29+$0xFFFFFF90]  }
0x10d: {  	v11 =	vmul.f32 v11, v12;
	v8 =	vmul.f32 v13, v14;
	v48 =	vld [tilespmem:s30+$0xFFFFFF90]  }
0x10e: {  	v14 =	vmul.f32 v15, v16;
	v13 =	vmul.f32 v17, v18;
	v49 =	vld [tilespmem:s29+$0xFFFFFF80]  }
0x10f: {  	v16 =	vmul.f32 v19, v20;
	v15 =	vmul.f32 v21, v22;
	v50 =	vld [tilespmem:s30+$0xFFFFFF80]  }
0x110: {  	v7 =	vadd.f32 v7, v10;
	v8 =	vadd.f32 v11, v8;
	v9 =	vld [tilespmem:s29+$0xFFFFFF70]  }
0x111: {  	v11 =	vadd.f32 v16, v15;
	v15 =	vadd.f32 v14, v13;
	v12 =	vld [tilespmem:s30+$0xFFFFFF70]  }
0x112: {  	v10 =	vld [tilespmem:s29+$0xFFFFFF60]  }
0x113: {  	v17 =	vsel vm0, v7, v8;
	v16 =	vsel vm0, v15, v11;
	v13 =	vld [tilespmem:s30+$0xFFFFFF60]  }
0x114: {  	v18 =	vperm.xlane v17, v0;
	v20 =	vperm.xlane v16, v0;
	v14 =	vld [tilespmem:s29+$0xFFFFFF50]  }
0x115: {  	v7 =	vsel vm0, v8, v7;
	v23 =	vmul.f32 v23, v24;
	v21 =	vmul.f32 v25, v26;
	v16 =	vld [tilespmem:s30+$0xFFFFFF50]  }
0x116: {  	v7 =	vadd.f32 v18, v7;
	v25 =	vmul.f32 v27, v28;
	v24 =	vmul.f32 v29, v30;
	v17 =	vld [tilespmem:s29+$0xFFFFFF40]  }
0x117: {  	v8 =	vsel vm0, v11, v15;
	v27 =	vmul.f32 v31, v32;
	v26 =	vmul.f32 v33, v34;
	v18 =	vld [tilespmem:s30+$0xFFFFFF40]  }
0x118: {  	v8 =	vadd.f32 v20, v8;
	v15 =	vmul.f32 v35, v36;
	v11 =	vmul.f32 v37, v38;
	v19 =	vld [tilespmem:s29+$0xFFFFFF30]  }
0x119: {  	v29 =	vadd.f32 v25, v24;
	v31 =	vadd.f32 v23, v21;
	v22 =	vld [tilespmem:s30+$0xFFFFFF30]  }
0x11a: {  	v26 =	vadd.f32 v27, v26;
	v36 =	vadd.f32 v15, v11;
	v21 =	vld [tilespmem:s29+$0xFFFFFF20]  }
0x11b: {  	v11 =	vsel vm1, v7, v8;
	v23 =	vld [tilespmem:s30+$0xFFFFFF20]  }
.Ltmp0:
0x11c: {  	v24 =	vsel vm0, v31, v29;
	v11 =	vperm.xlane v11, v1;
	v15 =	vsel vm0, v26, v36;
	v25 =	vld [tilespmem:s29+$0xFFFFFF10];
	(pc) =	sbr.rel @p0 .LBB2_2-.Ltmp0, $4  }
0x11d: {  	v20 =	vperm.xlane v15, v0;
	v15 =	vperm.xlane v24, v0;
	v27 =	vld [tilespmem:s30+$0xFFFFFF10]  }
0x11e: {  	v31 =	vsel vm0, v29, v31;
	v30 =	vmul.f32 v41, v42;
	v24 =	vmul.f32 v39, v40;
	v28 =	vld [tilespmem:s29+$0xFFFFFF00]  }
0x11f: {  	v15 =	vadd.f32 v15, v31;
	v35 =	vmul.f32 v43, v44;
	v33 =	vmul.f32 v45, v46;
	v29 =	vld [tilespmem:s30+$0xFFFFFF00]  }
0x120: {  	s0 =	sadd.s32 $0x40, s0;
	v26 =	vsel vm0, v36, v26;
	v34 =	vmul.f32 v47, v48;
	v32 =	vmul.f32 v49, v50;
	v31 =	vld [tilespmem:s29+$0xFFFFFFF0]  }
0x121: {  	v9 =	vmul.f32 v9, v12  }
0x122: {  	v5 =	vmul.f32 v5, v6;
	v40 =	vmul.f32 v14, v16  }
0x123: {  	v39 =	vadd.f32 v35, v33;
	v10 =	vmul.f32 v10, v13;
	v42 =	vmul.f32 v19, v22  }
0x124: {  	v43 =	vmul.f32 v17, v18;
	v45 =	vmul.f32 v21, v23;
	v52 =	vadd.f32 v20, v26  }
0x125: {  	v41 =	vadd.f32 v34, v32;
	v44 =	vmul.f32 v25, v27;
	v5 =	vadd.f32 v30, v5  }
0x126: {  	v9 =	vadd.f32 v9, v10;
	v47 =	vmul.f32 v28, v29;
	v4 =	vmul.f32 v31, v4  }
0x127: {  	v48 =	vadd.f32 v42, v45;
	v6 =	vadd.f32 v40, v43;
	v46 =	vsel vm0, v39, v41  }
0x128: {  	v12 =	vsel vm0, v41, v39;
	v50 =	vadd.f32 v44, v47;
	v4 =	vadd.f32 v4, v24  }
0x129: {  	v49 =	vperm.xlane v46, v0;
	v51 =	vsel vm0, v9, v6;
	v6 =	vsel vm0, v6, v9  }
0x12a: {  	v13 =	vperm.xlane v51, v0;
	v17 =	vsel vm0, v48, v50;
	v53 =	vsel vm0, v4, v5  }
0x12b: {  	v12 =	vadd.f32 v49, v12;
	v17 =	vperm.xlane v17, v0;
	v54 =	vperm.xlane v53, v0  }
0x12c: {  	v10 =	vsel vm0, v50, v48;
	v6 =	vadd.f32 v13, v6;
	v4 =	vsel vm0, v5, v4  }
0x12d: {  	v7 =	vsel vm1, v8, v7;
	v5 =	vadd.f32 v17, v10;
	v4 =	vadd.f32 v54, v4  }
0x12e: {  	v7 =	vadd.f32 v11, v7;
	v55 =	vsel vm1, v15, v52  }
0x12f: {  	v8 =	vperm.xlane v55, v1;
	v56 =	vsel vm1, v6, v5;
	v57 =	vsel vm1, v4, v12  }
0x130: {  	v58 =	vsel vm1, v52, v15;
	v9 =	vperm.xlane v56, v1;
	v10 =	vperm.xlane v57, v1  }
0x131: {  	v59 =	vadd.f32 v8, v58;
	v5 =	vsel vm1, v5, v6;
	v4 =	vsel vm1, v12, v4  }
0x132: {  	v5 =	vadd.f32 v9, v5;
	v4 =	vadd.f32 v10, v4;
	_ =	sdelay $0x1  }
0x133: {  	v61 =	vsel vm2, v7, v59;
	v60 =	vsel vm2, v4, v5  }
0x134: {  	v9 =	vperm.xlane v61, v2;
	v8 =	vperm.xlane v60, v2  }
0x135: {  	v4 =	vsel vm2, v5, v4;
	v5 =	vsel vm2, v59, v7  }
0x136: {  	v5 =	vadd.f32 v9, v5;
	v4 =	vadd.f32 v8, v4  }
0x137: {  	s0 =	sshra.s32 s31, $0x2  }
0x138: {  	v63 =	vld [tilespmem:s0+$0x8400];
	v62 =	vsel vm3, v5, v4  }
0x139: {  	v6 =	vperm.xlane v62, v3  }
0x13a: {  	v4 =	vsel vm3, v4, v5;
	v5 =	vld [tilespmem:s0+$0x8600]  }
0x13b: {  	v4 =	vadd.f32 v4, v6;
	_ =	sdelay $0x1  }
0x13c: {  	v4 =	vadd.f32 v4, v63;
	_ =	sdelay $0x1  }
0x13d: {  	s28 =	sadd.s32 $0x1, s28;
	v4 =	vadd.f32 v4, v5  }
0x13e: {  	p0 =	sne.s32 s28, s16  }
.Ltmp1:
0x13f: {  	[tilespmem:s0+$0x8800] =	vst v4;
	(pc) =	sbr.rel @p0 .LBB2_1-.Ltmp1, $4  }
0x140: {  	[hbm4b:s15+s2] =	stream.linear.scatter [tilespmem:s26], [sflag:$0x2], $0x200, $0x38;
	[tilespmem:$0x8A00] =	vst v63  }
0x141: {  	_ =	swait.ge [sflag:s17], $0x200  }
0x142: {  	[sflag:s17] =	ssyncset.done $0x0  }
0x143: {  	[sflag:s17] =	ssyncadd.s32 $0xFFFFFE00  }
0x144: {  	_ =	sfence.sel $0x180000  }
0x145: {  	[bflag:$0x0] =	sbarrier.arrive $0xFFFF  }
0x146: {  	_ =	strace $0x90000047  }
0x147: {  	s0 =	stileid.u32;
	[bflag:$0x2] =	sbarrier.arrive $0xFFFF  }
0x148: {  	p0 =	sne.s32 s0, $0x0;
	s0 =	rddreg [dreg:$0x4]  }
0x149: {  	s0 =	sadd.s32 @!p0 $0x100000, s0  }
0x14a: {  	[sflag:s0] =	ssyncadd.tile.s32 @!p0 $0x1;
	_ =	shalt  }
.Lfunc_end2:
_tile_overlayer_lowered:
.L_overlay_start_2:
0x14b: {  	(tag) =	ssettag $0x2  }
0x14c: {  	s0 =	rddreg [dreg:$0x0];
	s2 =	stileid.u32  }
0x14d: {  	s1 =	rddreg [dreg:$0x1];
	p0 =	sne.s32 s2, $0x0  }
0x14e: {  	s3 =	rddreg [dreg:$0x2];
	[bflag:$0x3] =	sbarrier.arrive $0xFFFF;
	s2 =	simm.s32 @!p0 $0x1C02  }
0x14f: {  	[timem:s3], [sflag:s2] =	dma.local @!p0 [hbm:s0], s1  }
0x150: {  	s0 =	simm.s32 @!p0 $0x2  }
0x151: {  	_ =	swait.ge @!p0 [sflag:s0], s1  }
0x152: {  	s1 =	ssub.s32 @!p0 $0x0, s1;
	[sflag:s0] =	ssyncset.done @!p0 $0x0  }
0x153: {  	[sflag:s0] =	ssyncadd.s32 @!p0 s1  }
0x154: {  	[bflag:$0x3] =	sbarrier.arrive $0xFFFF  }
0x155: {  	_ =	shalt  }

</sc_bundles>
